<compile_context>
chip_gen: v7x
topology: tpu7x:2x2x1
jax: 0.10.2.dev20260603
libtpu: 0.0.44.dev20260713+nightly
codegen_flags: <defaults>
</compile_context>

<pallas_src>
import functools

import jax
import jax.numpy as jnp
from jax import lax
from jax.experimental import pallas as pl
from jax.experimental.pallas import tpu as pltpu
from jax.experimental.pallas import tpu_sc as plsc

_NC = 2
_NS = 16
_NW = _NC * _NS
_L = 16
_NB = 512
_HI = jax.lax.Precision.HIGHEST


def _sc_hist_kernel(E):
    PW = E // _NW
    NV = PW // _L
    TAIL = PW - NV * _L
    BUF = (NV + (1 if TAIL else 0)) * _L
    UN = 16
    NV1 = (NV // 2) // UN * UN
    G1 = NV1 // UN
    G2 = (NV - NV1) // UN
    REM = NV - NV1 - G2 * UN
    mesh = plsc.VectorSubcoreMesh(core_axis_name="c", subcore_axis_name="s")

    @functools.partial(
        pl.kernel,
        out_type=jax.ShapeDtypeStruct((_NW, _NB), jnp.int32),
        mesh=mesh,
        scratch_types=[
            pltpu.VMEM((BUF,), jnp.int32),
            pltpu.VMEM((_L * _NB,), jnp.int32),
            pltpu.VMEM((_NB,), jnp.int32),
            pltpu.SemaphoreType.DMA,
            pltpu.SemaphoreType.DMA,
        ],
        compiler_params=pltpu.CompilerParams(needs_layout_passes=False,
                                             skip_device_barrier=True),
    )
    def hist(et_hbm, out_hbm, et_v, bins_v, out_v, sem1, sem2):
        wid = lax.axis_index("s") * _NC + lax.axis_index("c")
        base = wid * PW
        n1 = NV1 * _L
        cp1 = pltpu.async_copy(et_hbm.at[pl.ds(base, n1)],
                               et_v.at[pl.ds(0, n1)], sem1)
        cp2 = pltpu.async_copy(et_hbm.at[pl.ds(base + n1, PW - n1)],
                               et_v.at[pl.ds(n1, PW - n1)], sem2)

        zero16 = jnp.zeros((_L,), jnp.int32)

        def zbody(i, _):
            bins_v[pl.ds(i * _L, _L)] = zero16
            return 0
        lax.fori_loop(0, _L * _NB // _L, zbody, 0)

        lane_off = lax.iota(jnp.int32, _L) * _NB
        ones = jnp.ones((_L,), jnp.int32)

        def grp(g, _):
            ts = [et_v[pl.ds((g * UN + u) * _L, _L)] for u in range(UN)]
            addrs = [lane_off + t for t in ts]
            for a in addrs:
                plsc.addupdate_scatter(bins_v, [a], ones)
            return 0

        cp1.wait()
        lax.fori_loop(0, G1, grp, 0)
        cp2.wait()
        lax.fori_loop(G1, G1 + G2, grp, 0)
        rem = [et_v[pl.ds(((G1 + G2) * UN + j) * _L, _L)] for j in range(REM)]
        for t in rem:
            plsc.addupdate_scatter(bins_v, [lane_off + t], ones)
        if TAIL:
            t = et_v[pl.ds(NV * _L, _L)]
            t = jnp.clip(t, 0, _NB - 1)
            m = lax.iota(jnp.int32, _L) < TAIL
            plsc.addupdate_scatter(bins_v, [lane_off + t], ones, mask=m)

        def rbody(j, _):
            vs = [bins_v[pl.ds(h * _NB + j * _L, _L)] for h in range(_L)]
            while len(vs) > 1:
                vs = [vs[i] + vs[i + 1] for i in range(0, len(vs), 2)]
            out_v[pl.ds(j * _L, _L)] = vs[0]
            return 0
        lax.fori_loop(0, _NB // _L, rbody, 0)
        pltpu.sync_copy(out_v, out_hbm.at[wid])

    return hist


def _sc_counts(edge_type):
    E = edge_type.shape[0]
    return _sc_hist_kernel(E)(edge_type)


def _dott(x, w):
    return lax.dot_general(x, w, (((1,), (1,)), ((), ())), precision=_HI,
                           preferred_element_type=jnp.float32)


def _tc_sims_kernel(emb_ref, base_ref, qr_ref, ws1_ref, bs1_ref,
                    ws2_ref, bs2_ref, sims_ref, qe_ref, es_ref):
    f32 = jnp.float32
    R, D = emb_ref.shape
    emb = jnp.concatenate([emb_ref[...], jnp.zeros((_NB - R, D), f32)], axis=0)
    iota = lax.broadcasted_iota(jnp.int32, (1, _NB), 1)
    qr = qr_ref[0, 0]

    q = emb_ref[pl.ds(jnp.minimum(qr, R - 1), 1), :]
    dots = _dott(q, emb)
    norms2 = _dott(jnp.ones((1, D), f32), emb * emb)
    norms = jnp.sqrt(norms2)
    qn = jnp.sum(jnp.where(iota == qr, norms, 0.0))
    sims = dots / jnp.maximum(norms * qn, 1e-8)
    sims_ref[...] = jnp.where(iota == qr, 1.0, sims)

    qe = base_ref[pl.ds(jnp.minimum(qr, R - 1), 1), :]
    qe_ref[...] = qe
    hs = jnp.maximum(_dott(qe, ws1_ref[...]) + bs1_ref[...], 0.0)
    z = jnp.sum(hs * ws2_ref[...]) + jnp.sum(bs2_ref[...])
    es = jnp.max(jax.nn.sigmoid(jnp.full((1, 128), z, f32)))
    es_ref[...] = jnp.full((1, 1), es, f32)


def _tc_fuse_kernel(partial_ref, sims_ref, qe_ref, es_ref, emb_ref,
                    wpe1_ref, bpe1_ref, wpe2_ref, bpe2_ref,
                    wcf1_ref, bcf1_ref, wcf2_ref, bcf2_ref,
                    out_ref, adj_ref):
    f32 = jnp.float32
    R, D = emb_ref.shape
    counts = jnp.sum(partial_ref[...], axis=0, keepdims=True)
    iota = lax.broadcasted_iota(jnp.int32, (1, _NB), 1)
    sims = sims_ref[...]

    present = (counts > 0) & (iota < R)
    score = jnp.where(present, sims, -1e30)
    rs, ms, cs = [], [], []
    for _ in range(3):
        m = jnp.max(score)
        r = jnp.min(jnp.where(score == m, iota, _NB))
        c = jnp.sum(jnp.where(iota == r, counts, 0))
        score = jnp.where(iota == r, -3e30, score)
        rs.append(r)
        ms.append(m)
        cs.append(c)

    a = jnp.minimum(cs[0], 3)
    b = jnp.minimum(cs[1], 3 - a)
    c3 = jnp.minimum(cs[2], 3 - a - b)
    avg_sim = (ms[0] * a.astype(f32) + ms[1] * b.astype(f32)
               + ms[2] * c3.astype(f32)) / 3.0
    w0 = jnp.where(a > 0, 1.0, 0.0)
    w1 = jnp.where(b > 0, 1.0, 0.0)
    w2 = jnp.where(c3 > 0, 1.0, 0.0)
    ndist = w0 + w1 + w2

    sel3 = jnp.concatenate(
        [emb_ref[pl.ds(jnp.minimum(rs[k], R - 1), 1), :] for k in range(3)],
        axis=0)
    h3 = jnp.maximum(_dott(sel3, wpe1_ref[...]) + bpe1_ref[...], 0.0)
    enc3 = _dott(h3, wpe2_ref[...]) + bpe2_ref[...]
    wcol = jnp.concatenate([jnp.full((1, 1), w, f32) for w in (w0, w1, w2)],
                           axis=0)
    pc = jnp.sum(enc3 * wcol, axis=0, keepdims=True) / ndist

    qe = qe_ref[...]
    adj = jnp.sum(es_ref[...]) * avg_sim

    fin = jnp.concatenate([qe, pc], axis=1)
    hf = jnp.maximum(_dott(fin, wcf1_ref[...]) + bcf1_ref[...], 0.0)
    enh = _dott(hf, wcf2_ref[...]) + bcf2_ref[...]
    out_ref[...] = qe + adj * enh
    adj_ref[...] = jnp.full((1, 1), adj, f32)


def kernel(edge_index, edge_type, num_nodes, query_relation, query_entity,
           base_embeddings, relation_embeddings,
           W_str1, b_str1, W_str2, b_str2,
           W_pe1, b_pe1, W_pe2, b_pe2,
           W_cf1, b_cf1, W_cf2, b_cf2):
    D = relation_embeddings.shape[1]
    f32 = jnp.float32
    partial = _sc_counts(edge_type)
    qr = jnp.asarray(query_relation, jnp.int32).reshape(1, 1)

    sims, qe, es = pl.pallas_call(
        _tc_sims_kernel,
        out_shape=[jax.ShapeDtypeStruct((1, _NB), f32),
                   jax.ShapeDtypeStruct((1, D), f32),
                   jax.ShapeDtypeStruct((1, 1), f32)],
    )(relation_embeddings, base_embeddings, qr,
      W_str1, b_str1.reshape(1, 32), W_str2, b_str2.reshape(1, 1))

    out, adj = pl.pallas_call(
        _tc_fuse_kernel,
        out_shape=[jax.ShapeDtypeStruct((1, D), f32),
                   jax.ShapeDtypeStruct((1, 1), f32)],
    )(partial, sims, qe, es, relation_embeddings,
      W_pe1, b_pe1.reshape(1, D), W_pe2, b_pe2.reshape(1, D),
      W_cf1, b_cf1.reshape(1, D), W_cf2, b_cf2.reshape(1, D))
    return (out.reshape(D), adj[0, 0])

# --- scband reference (transcript-rebuilt; emitter-appended) ---
"""Pipeline reference for scband-improved-prompt-graph-27685359190306 (READ-ONLY COPY).

The authoritative reference and input builder live on the scoring server;
editing this copy changes nothing except your own understanding.
"""

import jax, jax.numpy as jnp
import numpy as np


def setup_inputs(seed: int = 0) -> dict:
    key = jax.random.key(seed)
    ks = jax.random.split(key, 24)
    E = 800000
    N = 50000
    R = 500
    D = 64
    inp = {}
    inp["edge_index"] = jax.random.randint(ks[0], (2, E), 0, N, dtype=jnp.int32)
    inp["edge_type"] = jax.random.randint(ks[1], (E,), 0, R, dtype=jnp.int32)
    inp["num_nodes"] = N
    inp["query_relation"] = 7
    inp["query_entity"] = jax.random.normal(ks[2], (D,), dtype=jnp.float32)
    inp["base_embeddings"] = jax.random.normal(ks[3], (R, D), dtype=jnp.float32)
    inp["relation_embeddings"] = jax.random.normal(ks[4], (R, D), dtype=jnp.float32)
    s = 0.05
    # enhancement_strength: Linear(64->32), Linear(32->1)
    inp["W_str1"] = jax.random.normal(ks[5], (32, D), dtype=jnp.float32) * s
    inp["b_str1"] = jnp.zeros((32,), dtype=jnp.float32)
    inp["W_str2"] = jax.random.normal(ks[6], (1, 32), dtype=jnp.float32) * s
    inp["b_str2"] = jnp.zeros((1,), dtype=jnp.float32)
    # prompt_encoder: Linear(64->64), Linear(64->64)
    inp["W_pe1"] = jax.random.normal(ks[7], (D, D), dtype=jnp.float32) * s
    inp["b_pe1"] = jnp.zeros((D,), dtype=jnp.float32)
    inp["W_pe2"] = jax.random.normal(ks[8], (D, D), dtype=jnp.float32) * s
    inp["b_pe2"] = jnp.zeros((D,), dtype=jnp.float32)
    # context_fusion: Linear(128->64), Linear(64->64)
    inp["W_cf1"] = jax.random.normal(ks[9], (D, 2 * D), dtype=jnp.float32) * s
    inp["b_cf1"] = jnp.zeros((D,), dtype=jnp.float32)
    inp["W_cf2"] = jax.random.normal(ks[10], (D, D), dtype=jnp.float32) * s
    inp["b_cf2"] = jnp.zeros((D,), dtype=jnp.float32)
    return inp


def reference(edge_index, edge_type, num_nodes, query_relation, query_entity,
              base_embeddings, relation_embeddings,
              W_str1, b_str1, W_str2, b_str2,
              W_pe1, b_pe1, W_pe2, b_pe2,
              W_cf1, b_cf1, W_cf2, b_cf2):
    num_prompt_samples = 3
    # --- generate_semantic_prompt_graph ---
    q = relation_embeddings[query_relation]
    norms = jnp.linalg.norm(relation_embeddings, axis=1)
    qn = jnp.linalg.norm(q)
    # F.cosine_similarity with eps=1e-8
    sims = (relation_embeddings @ q) / jnp.maximum(norms * qn, 1e-8)
    sims = sims.at[query_relation].set(1.0)
    # memory-bound gather over all edges
    edge_sims = jnp.take(sims, edge_type)
    # argsort descending + take top num_prompt_samples == top_k
    vals, idxs = jax.lax.top_k(edge_sims, num_prompt_samples)
    avg_similarity = vals.mean()
    sel_types = jnp.take(edge_type, idxs)
    # --- encode_prompt_context (mean over unique relation types) ---
    sel_embs = jnp.take(relation_embeddings, sel_types, axis=0)
    h = jax.nn.relu(sel_embs @ W_pe1.T + b_pe1)
    enc = h @ W_pe2.T + b_pe2
    pos = jnp.arange(num_prompt_samples)
    eq = sel_types[:, None] == sel_types[None, :]
    dup = jnp.any(eq & (pos[None, :] < pos[:, None]), axis=1)
    mask = (~dup).astype(enc.dtype)  # first occurrence == unique
    prompt_context = (enc * mask[:, None]).sum(axis=0) / mask.sum()
    # --- main fusion ---
    query_embedding = base_embeddings[query_relation]
    hs = jax.nn.relu(query_embedding @ W_str1.T + b_str1)
    enhancement_strength = jax.nn.sigmoid(hs @ W_str2.T + b_str2)  # [1]
    adjusted_strength = enhancement_strength * avg_similarity
    fusion_input = jnp.concatenate([query_embedding, prompt_context], axis=-1)
    hf = jax.nn.relu(fusion_input @ W_cf1.T + b_cf1)
    enhanced_embedding = hf @ W_cf2.T + b_cf2
    final_embedding = query_embedding + adjusted_strength * enhanced_embedding
    return (final_embedding, adjusted_strength[0])


if False:  # reference __main__ guard neutralized (emitter)
    out = reference(**setup_inputs())
    print(out[0].shape, out[1])

if __name__ == "__main__":
    import jax
    _d = setup_inputs()
    print(jax.jit(kernel)(*tuple(_d.values())))

</pallas_src>

<mosaic_0001>
#map = affine_map<(d0, d1) -> (0)>
#map1 = affine_map<(d0, d1) -> (0, 0)>
module attributes {stable_mosaic.version = 14 : i64} {
  func.func @hist(%arg0: i32, %arg1: i32, %arg2: memref<800000xi32, #tpu.memory_space<hbm>>, %arg3: memref<32x512xi32, #tpu.memory_space<hbm>>, %arg4: memref<25008xi32, #tpu.memory_space<vmem>>, %arg5: memref<8192xi32, #tpu.memory_space<vmem>>, %arg6: memref<512xi32, #tpu.memory_space<vmem>>, %arg7: memref<!tpu.dma_semaphore, #tpu.memory_space<semaphore_mem>>, %arg8: memref<!tpu.dma_semaphore, #tpu.memory_space<semaphore_mem>>) attributes {dimension_semantics = [#tpu.dimension_semantics<core_parallel>, #tpu.dimension_semantics<subcore_parallel>], iteration_bounds = array<i64: 2, 16>, scalar_prefetch = 0 : i64, scratch_operands = 5 : i64, tpu.core_type = #tpu.core_type<sc_vector_subcore>, window_params = [{transform_indices = #map}, {transform_indices = #map1}]} {
    %mul3A = arith.constant 2 : i32
    %mul3A_0 = arith.muli %arg1, %mul3A : i32
    %add3A = arith.addi %mul3A_0, %arg0 : i32
    %mul3A_1 = arith.constant 25000 : i32
    %mul3A_2 = arith.muli %add3A, %mul3A_1 : i32
    %dma_start3A = arith.constant 0 : i32
    %dma_start3A_3 = tpu.memref_slice %arg4[%dma_start3A] : memref<25008xi32, #tpu.memory_space<vmem>> -> memref<12288xi32, #tpu.memory_space<vmem>>
    %dma_start3A_4 = tpu.memref_slice %arg2[%mul3A_2] : memref<800000xi32, #tpu.memory_space<hbm>> -> memref<12288xi32, #tpu.memory_space<hbm>>
    %dma_start3A_5 = arith.constant 0 : i32
    %dma_start3A_6 = tpu.memref_slice %arg4[%dma_start3A_5] : memref<25008xi32, #tpu.memory_space<vmem>> -> memref<12288xi32, #tpu.memory_space<vmem>>
    %dma_start3A_7 = tpu.memref_slice %arg2[%mul3A_2] : memref<800000xi32, #tpu.memory_space<hbm>> -> memref<12288xi32, #tpu.memory_space<hbm>>
    tpu.enqueue_dma source(%dma_start3A_7 : memref<12288xi32, #tpu.memory_space<hbm>>) target(%dma_start3A_6 : memref<12288xi32, #tpu.memory_space<vmem>>) target_semaphore(%arg7 : memref<!tpu.dma_semaphore, #tpu.memory_space<semaphore_mem>>)
    %add3A_8 = arith.constant 12288 : i32
    %add3A_9 = arith.addi %mul3A_2, %add3A_8 : i32
    %dma_start3A_10 = arith.constant 12288 : i32
    %dma_start3A_11 = tpu.memref_slice %arg4[%dma_start3A_10] : memref<25008xi32, #tpu.memory_space<vmem>> -> memref<12712xi32, #tpu.memory_space<vmem>>
    %dma_start3A_12 = tpu.memref_slice %arg2[%add3A_9] : memref<800000xi32, #tpu.memory_space<hbm>> -> memref<12712xi32, #tpu.memory_space<hbm>>
    %dma_start3A_13 = arith.constant 12288 : i32
    %dma_start3A_14 = tpu.memref_slice %arg4[%dma_start3A_13] : memref<25008xi32, #tpu.memory_space<vmem>> -> memref<12712xi32, #tpu.memory_space<vmem>>
    %dma_start3A_15 = tpu.memref_slice %arg2[%add3A_9] : memref<800000xi32, #tpu.memory_space<hbm>> -> memref<12712xi32, #tpu.memory_space<hbm>>
    tpu.enqueue_dma source(%dma_start3A_15 : memref<12712xi32, #tpu.memory_space<hbm>>) target(%dma_start3A_14 : memref<12712xi32, #tpu.memory_space<vmem>>) target_semaphore(%arg8 : memref<!tpu.dma_semaphore, #tpu.memory_space<semaphore_mem>>)
    %broadcast_in_dim3A = arith.constant 0 : i32
    %broadcast_in_dim3A_16 = vector.broadcast %broadcast_in_dim3A : i32 to vector<16xi32>
    %scan3A = arith.constant 0 : i32
    %scan3A_17 = arith.constant 0 : i32
    %scan3A_18 = arith.constant 512 : i32
    %scan3A_19 = arith.addi %scan3A_17, %scan3A_18 : i32
    %scan3A_20 = arith.constant 1 : i32
    %scan3A_21 = scf.for %scan3A_98 = %scan3A_17 to %scan3A_19 step %scan3A_20 iter_args(%scan3A_99 = %scan3A) -> (i32)  : i32 {
      %mul3A_100 = arith.constant 16 : i32
      %mul3A_101 = arith.muli %scan3A_98, %mul3A_100 : i32
      %swap3A = arith.index_cast %mul3A_101 : i32 to index
      %swap3A_102 = tpu.vector_load %arg5[%swap3A] {strides = array<i32>} : memref<8192xi32, #tpu.memory_space<vmem>>, vector<16xi32>,
      tpu.vector_store %arg5[%swap3A], %broadcast_in_dim3A_16 {strides = array<i32>} : memref<8192xi32, #tpu.memory_space<vmem>>, vector<16xi32>,
      %scan3A_103 = arith.constant 0 : i32
      scf.yield %scan3A_103 : i32
    }
    %scan3A_22 = arith.constant 512 : i32
    %iota3A = tpu.iota {dimensions = array<i32: 0>} : vector<16xi32>
    %mul3A_23 = arith.constant 512 : i32
    %mul3A_24 = vector.broadcast %mul3A_23 : i32 to vector<16xi32>
    %mul3A_25 = arith.muli %iota3A, %mul3A_24 : vector<16xi32>
    %broadcast_in_dim3A_26 = arith.constant 1 : i32
    %broadcast_in_dim3A_27 = vector.broadcast %broadcast_in_dim3A_26 : i32 to vector<16xi32>
    %dma_wait3A = arith.constant 0 : i32
    %dma_wait3A_28 = tpu.memref_slice %arg4[%dma_wait3A] : memref<25008xi32, #tpu.memory_space<vmem>> -> memref<12288xi32, #tpu.memory_space<vmem>>
    %dma_wait3A_29 = tpu.memref_slice %arg2[%mul3A_2] : memref<800000xi32, #tpu.memory_space<hbm>> -> memref<12288xi32, #tpu.memory_space<hbm>>
    %dma_wait3A_30 = arith.constant 0 : i32
    %dma_wait3A_31 = tpu.memref_slice %arg4[%dma_wait3A_30] : memref<25008xi32, #tpu.memory_space<vmem>> -> memref<12288xi32, #tpu.memory_space<vmem>>
    %dma_wait3A_32 = tpu.memref_slice %arg2[%mul3A_2] : memref<800000xi32, #tpu.memory_space<hbm>> -> memref<12288xi32, #tpu.memory_space<hbm>>
    tpu.wait_dma2 semaphore(%arg7 : memref<!tpu.dma_semaphore, #tpu.memory_space<semaphore_mem>>) src(%dma_wait3A_32 : memref<12288xi32, #tpu.memory_space<hbm>>) dst(%dma_wait3A_31 : memref<12288xi32, #tpu.memory_space<vmem>>)
    %scan3A_33 = arith.constant 0 : i32
    %scan3A_34 = arith.constant 0 : i32
    %scan3A_35 = arith.constant 48 : i32
    %scan3A_36 = arith.addi %scan3A_34, %scan3A_35 : i32
    %scan3A_37 = arith.constant 1 : i32
    %scan3A_38 = scf.for %scan3A_98 = %scan3A_34 to %scan3A_36 step %scan3A_37 iter_args(%scan3A_99 = %scan3A_33) -> (i32)  : i32 {
      %mul3A_100 = arith.constant 16 : i32
      %mul3A_101 = arith.muli %scan3A_98, %mul3A_100 : i32
      %add3A_102 = arith.constant 0 : i32
      %add3A_103 = arith.addi %mul3A_101, %add3A_102 : i32
      %mul3A_104 = arith.constant 16 : i32
      %mul3A_105 = arith.muli %add3A_103, %mul3A_104 : i32
      %get3A_106 = arith.index_cast %mul3A_105 : i32 to index
      %get3A_107 = tpu.vector_load %arg4[%get3A_106] {strides = array<i32>} : memref<25008xi32, #tpu.memory_space<vmem>>, vector<16xi32>,
      %mul3A_108 = arith.constant 16 : i32
      %mul3A_109 = arith.muli %scan3A_98, %mul3A_108 : i32
      %add3A_110 = arith.constant 1 : i32
      %add3A_111 = arith.addi %mul3A_109, %add3A_110 : i32
      %mul3A_112 = arith.constant 16 : i32
      %mul3A_113 = arith.muli %add3A_111, %mul3A_112 : i32
      %get3A_114 = arith.index_cast %mul3A_113 : i32 to index
      %get3A_115 = tpu.vector_load %arg4[%get3A_114] {strides = array<i32>} : memref<25008xi32, #tpu.memory_space<vmem>>, vector<16xi32>,
      %mul3A_116 = arith.constant 16 : i32
      %mul3A_117 = arith.muli %scan3A_98, %mul3A_116 : i32
      %add3A_118 = arith.constant 2 : i32
      %add3A_119 = arith.addi %mul3A_117, %add3A_118 : i32
      %mul3A_120 = arith.constant 16 : i32
      %mul3A_121 = arith.muli %add3A_119, %mul3A_120 : i32
      %get3A_122 = arith.index_cast %mul3A_121 : i32 to index
      %get3A_123 = tpu.vector_load %arg4[%get3A_122] {strides = array<i32>} : memref<25008xi32, #tpu.memory_space<vmem>>, vector<16xi32>,
      %mul3A_124 = arith.constant 16 : i32
      %mul3A_125 = arith.muli %scan3A_98, %mul3A_124 : i32
      %add3A_126 = arith.constant 3 : i32
      %add3A_127 = arith.addi %mul3A_125, %add3A_126 : i32
      %mul3A_128 = arith.constant 16 : i32
      %mul3A_129 = arith.muli %add3A_127, %mul3A_128 : i32
      %get3A_130 = arith.index_cast %mul3A_129 : i32 to index
      %get3A_131 = tpu.vector_load %arg4[%get3A_130] {strides = array<i32>} : memref<25008xi32, #tpu.memory_space<vmem>>, vector<16xi32>,
      %mul3A_132 = arith.constant 16 : i32
      %mul3A_133 = arith.muli %scan3A_98, %mul3A_132 : i32
      %add3A_134 = arith.constant 4 : i32
      %add3A_135 = arith.addi %mul3A_133, %add3A_134 : i32
      %mul3A_136 = arith.constant 16 : i32
      %mul3A_137 = arith.muli %add3A_135, %mul3A_136 : i32
      %get3A_138 = arith.index_cast %mul3A_137 : i32 to index
      %get3A_139 = tpu.vector_load %arg4[%get3A_138] {strides = array<i32>} : memref<25008xi32, #tpu.memory_space<vmem>>, vector<16xi32>,
      %mul3A_140 = arith.constant 16 : i32
      %mul3A_141 = arith.muli %scan3A_98, %mul3A_140 : i32
      %add3A_142 = arith.constant 5 : i32
      %add3A_143 = arith.addi %mul3A_141, %add3A_142 : i32
      %mul3A_144 = arith.constant 16 : i32
      %mul3A_145 = arith.muli %add3A_143, %mul3A_144 : i32
      %get3A_146 = arith.index_cast %mul3A_145 : i32 to index
      %get3A_147 = tpu.vector_load %arg4[%get3A_146] {strides = array<i32>} : memref<25008xi32, #tpu.memory_space<vmem>>, vector<16xi32>,
      %mul3A_148 = arith.constant 16 : i32
      %mul3A_149 = arith.muli %scan3A_98, %mul3A_148 : i32
      %add3A_150 = arith.constant 6 : i32
      %add3A_151 = arith.addi %mul3A_149, %add3A_150 : i32
      %mul3A_152 = arith.constant 16 : i32
      %mul3A_153 = arith.muli %add3A_151, %mul3A_152 : i32
      %get3A_154 = arith.index_cast %mul3A_153 : i32 to index
      %get3A_155 = tpu.vector_load %arg4[%get3A_154] {strides = array<i32>} : memref<25008xi32, #tpu.memory_space<vmem>>, vector<16xi32>,
      %mul3A_156 = arith.constant 16 : i32
      %mul3A_157 = arith.muli %scan3A_98, %mul3A_156 : i32
      %add3A_158 = arith.constant 7 : i32
      %add3A_159 = arith.addi %mul3A_157, %add3A_158 : i32
      %mul3A_160 = arith.constant 16 : i32
      %mul3A_161 = arith.muli %add3A_159, %mul3A_160 : i32
      %get3A_162 = arith.index_cast %mul3A_161 : i32 to index
      %get3A_163 = tpu.vector_load %arg4[%get3A_162] {strides = array<i32>} : memref<25008xi32, #tpu.memory_space<vmem>>, vector<16xi32>,
      %mul3A_164 = arith.constant 16 : i32
      %mul3A_165 = arith.muli %scan3A_98, %mul3A_164 : i32
      %add3A_166 = arith.constant 8 : i32
      %add3A_167 = arith.addi %mul3A_165, %add3A_166 : i32
      %mul3A_168 = arith.constant 16 : i32
      %mul3A_169 = arith.muli %add3A_167, %mul3A_168 : i32
      %get3A_170 = arith.index_cast %mul3A_169 : i32 to index
      %get3A_171 = tpu.vector_load %arg4[%get3A_170] {strides = array<i32>} : memref<25008xi32, #tpu.memory_space<vmem>>, vector<16xi32>,
      %mul3A_172 = arith.constant 16 : i32
      %mul3A_173 = arith.muli %scan3A_98, %mul3A_172 : i32
      %add3A_174 = arith.constant 9 : i32
      %add3A_175 = arith.addi %mul3A_173, %add3A_174 : i32
      %mul3A_176 = arith.constant 16 : i32
      %mul3A_177 = arith.muli %add3A_175, %mul3A_176 : i32
      %get3A_178 = arith.index_cast %mul3A_177 : i32 to index
      %get3A_179 = tpu.vector_load %arg4[%get3A_178] {strides = array<i32>} : memref<25008xi32, #tpu.memory_space<vmem>>, vector<16xi32>,
      %mul3A_180 = arith.constant 16 : i32
      %mul3A_181 = arith.muli %scan3A_98, %mul3A_180 : i32
      %add3A_182 = arith.constant 10 : i32
      %add3A_183 = arith.addi %mul3A_181, %add3A_182 : i32
      %mul3A_184 = arith.constant 16 : i32
      %mul3A_185 = arith.muli %add3A_183, %mul3A_184 : i32
      %get3A_186 = arith.index_cast %mul3A_185 : i32 to index
      %get3A_187 = tpu.vector_load %arg4[%get3A_186] {strides = array<i32>} : memref<25008xi32, #tpu.memory_space<vmem>>, vector<16xi32>,
      %mul3A_188 = arith.constant 16 : i32
      %mul3A_189 = arith.muli %scan3A_98, %mul3A_188 : i32
      %add3A_190 = arith.constant 11 : i32
      %add3A_191 = arith.addi %mul3A_189, %add3A_190 : i32
      %mul3A_192 = arith.constant 16 : i32
      %mul3A_193 = arith.muli %add3A_191, %mul3A_192 : i32
      %get3A_194 = arith.index_cast %mul3A_193 : i32 to index
      %get3A_195 = tpu.vector_load %arg4[%get3A_194] {strides = array<i32>} : memref<25008xi32, #tpu.memory_space<vmem>>, vector<16xi32>,
      %mul3A_196 = arith.constant 16 : i32
      %mul3A_197 = arith.muli %scan3A_98, %mul3A_196 : i32
      %add3A_198 = arith.constant 12 : i32
      %add3A_199 = arith.addi %mul3A_197, %add3A_198 : i32
      %mul3A_200 = arith.constant 16 : i32
      %mul3A_201 = arith.muli %add3A_199, %mul3A_200 : i32
      %get3A_202 = arith.index_cast %mul3A_201 : i32 to index
      %get3A_203 = tpu.vector_load %arg4[%get3A_202] {strides = array<i32>} : memref<25008xi32, #tpu.memory_space<vmem>>, vector<16xi32>,
      %mul3A_204 = arith.constant 16 : i32
      %mul3A_205 = arith.muli %scan3A_98, %mul3A_204 : i32
      %add3A_206 = arith.constant 13 : i32
      %add3A_207 = arith.addi %mul3A_205, %add3A_206 : i32
      %mul3A_208 = arith.constant 16 : i32
      %mul3A_209 = arith.muli %add3A_207, %mul3A_208 : i32
      %get3A_210 = arith.index_cast %mul3A_209 : i32 to index
      %get3A_211 = tpu.vector_load %arg4[%get3A_210] {strides = array<i32>} : memref<25008xi32, #tpu.memory_space<vmem>>, vector<16xi32>,
      %mul3A_212 = arith.constant 16 : i32
      %mul3A_213 = arith.muli %scan3A_98, %mul3A_212 : i32
      %add3A_214 = arith.constant 14 : i32
      %add3A_215 = arith.addi %mul3A_213, %add3A_214 : i32
      %mul3A_216 = arith.constant 16 : i32
      %mul3A_217 = arith.muli %add3A_215, %mul3A_216 : i32
      %get3A_218 = arith.index_cast %mul3A_217 : i32 to index
      %get3A_219 = tpu.vector_load %arg4[%get3A_218] {strides = array<i32>} : memref<25008xi32, #tpu.memory_space<vmem>>, vector<16xi32>,
      %mul3A_220 = arith.constant 16 : i32
      %mul3A_221 = arith.muli %scan3A_98, %mul3A_220 : i32
      %add3A_222 = arith.constant 15 : i32
      %add3A_223 = arith.addi %mul3A_221, %add3A_222 : i32
      %mul3A_224 = arith.constant 16 : i32
      %mul3A_225 = arith.muli %add3A_223, %mul3A_224 : i32
      %get3A_226 = arith.index_cast %mul3A_225 : i32 to index
      %get3A_227 = tpu.vector_load %arg4[%get3A_226] {strides = array<i32>} : memref<25008xi32, #tpu.memory_space<vmem>>, vector<16xi32>,
      %add3A_228 = arith.addi %mul3A_25, %get3A_107 : vector<16xi32>
      %add3A_229 = arith.addi %mul3A_25, %get3A_115 : vector<16xi32>
      %add3A_230 = arith.addi %mul3A_25, %get3A_123 : vector<16xi32>
      %add3A_231 = arith.addi %mul3A_25, %get3A_131 : vector<16xi32>
      %add3A_232 = arith.addi %mul3A_25, %get3A_139 : vector<16xi32>
      %add3A_233 = arith.addi %mul3A_25, %get3A_147 : vector<16xi32>
      %add3A_234 = arith.addi %mul3A_25, %get3A_155 : vector<16xi32>
      %add3A_235 = arith.addi %mul3A_25, %get3A_163 : vector<16xi32>
      %add3A_236 = arith.addi %mul3A_25, %get3A_171 : vector<16xi32>
      %add3A_237 = arith.addi %mul3A_25, %get3A_179 : vector<16xi32>
      %add3A_238 = arith.addi %mul3A_25, %get3A_187 : vector<16xi32>
      %add3A_239 = arith.addi %mul3A_25, %get3A_195 : vector<16xi32>
      %add3A_240 = arith.addi %mul3A_25, %get3A_203 : vector<16xi32>
      %add3A_241 = arith.addi %mul3A_25, %get3A_211 : vector<16xi32>
      %add3A_242 = arith.addi %mul3A_25, %get3A_219 : vector<16xi32>
      %add3A_243 = arith.addi %mul3A_25, %get3A_227 : vector<16xi32>
      tpu.vector_store_idx %arg5[%add3A_228], %broadcast_in_dim3A_27 {add = true} : memref<8192xi32, #tpu.memory_space<vmem>>[vector<16xi32>], vector<16xi32>,
      tpu.vector_store_idx %arg5[%add3A_229], %broadcast_in_dim3A_27 {add = true} : memref<8192xi32, #tpu.memory_space<vmem>>[vector<16xi32>], vector<16xi32>,
      tpu.vector_store_idx %arg5[%add3A_230], %broadcast_in_dim3A_27 {add = true} : memref<8192xi32, #tpu.memory_space<vmem>>[vector<16xi32>], vector<16xi32>,
      tpu.vector_store_idx %arg5[%add3A_231], %broadcast_in_dim3A_27 {add = true} : memref<8192xi32, #tpu.memory_space<vmem>>[vector<16xi32>], vector<16xi32>,
      tpu.vector_store_idx %arg5[%add3A_232], %broadcast_in_dim3A_27 {add = true} : memref<8192xi32, #tpu.memory_space<vmem>>[vector<16xi32>], vector<16xi32>,
      tpu.vector_store_idx %arg5[%add3A_233], %broadcast_in_dim3A_27 {add = true} : memref<8192xi32, #tpu.memory_space<vmem>>[vector<16xi32>], vector<16xi32>,
      tpu.vector_store_idx %arg5[%add3A_234], %broadcast_in_dim3A_27 {add = true} : memref<8192xi32, #tpu.memory_space<vmem>>[vector<16xi32>], vector<16xi32>,
      tpu.vector_store_idx %arg5[%add3A_235], %broadcast_in_dim3A_27 {add = true} : memref<8192xi32, #tpu.memory_space<vmem>>[vector<16xi32>], vector<16xi32>,
      tpu.vector_store_idx %arg5[%add3A_236], %broadcast_in_dim3A_27 {add = true} : memref<8192xi32, #tpu.memory_space<vmem>>[vector<16xi32>], vector<16xi32>,
      tpu.vector_store_idx %arg5[%add3A_237], %broadcast_in_dim3A_27 {add = true} : memref<8192xi32, #tpu.memory_space<vmem>>[vector<16xi32>], vector<16xi32>,
      tpu.vector_store_idx %arg5[%add3A_238], %broadcast_in_dim3A_27 {add = true} : memref<8192xi32, #tpu.memory_space<vmem>>[vector<16xi32>], vector<16xi32>,
      tpu.vector_store_idx %arg5[%add3A_239], %broadcast_in_dim3A_27 {add = true} : memref<8192xi32, #tpu.memory_space<vmem>>[vector<16xi32>], vector<16xi32>,
      tpu.vector_store_idx %arg5[%add3A_240], %broadcast_in_dim3A_27 {add = true} : memref<8192xi32, #tpu.memory_space<vmem>>[vector<16xi32>], vector<16xi32>,
      tpu.vector_store_idx %arg5[%add3A_241], %broadcast_in_dim3A_27 {add = true} : memref<8192xi32, #tpu.memory_space<vmem>>[vector<16xi32>], vector<16xi32>,
      tpu.vector_store_idx %arg5[%add3A_242], %broadcast_in_dim3A_27 {add = true} : memref<8192xi32, #tpu.memory_space<vmem>>[vector<16xi32>], vector<16xi32>,
      tpu.vector_store_idx %arg5[%add3A_243], %broadcast_in_dim3A_27 {add = true} : memref<8192xi32, #tpu.memory_space<vmem>>[vector<16xi32>], vector<16xi32>,
      %scan3A_244 = arith.constant 0 : i32
      scf.yield %scan3A_244 : i32
    }
    %scan3A_39 = arith.constant 48 : i32
    %dma_wait3A_40 = arith.constant 12288 : i32
    %dma_wait3A_41 = tpu.memref_slice %arg4[%dma_wait3A_40] : memref<25008xi32, #tpu.memory_space<vmem>> -> memref<12712xi32, #tpu.memory_space<vmem>>
    %dma_wait3A_42 = tpu.memref_slice %arg2[%add3A_9] : memref<800000xi32, #tpu.memory_space<hbm>> -> memref<12712xi32, #tpu.memory_space<hbm>>
    %dma_wait3A_43 = arith.constant 12288 : i32
    %dma_wait3A_44 = tpu.memref_slice %arg4[%dma_wait3A_43] : memref<25008xi32, #tpu.memory_space<vmem>> -> memref<12712xi32, #tpu.memory_space<vmem>>
    %dma_wait3A_45 = tpu.memref_slice %arg2[%add3A_9] : memref<800000xi32, #tpu.memory_space<hbm>> -> memref<12712xi32, #tpu.memory_space<hbm>>
    tpu.wait_dma2 semaphore(%arg8 : memref<!tpu.dma_semaphore, #tpu.memory_space<semaphore_mem>>) src(%dma_wait3A_45 : memref<12712xi32, #tpu.memory_space<hbm>>) dst(%dma_wait3A_44 : memref<12712xi32, #tpu.memory_space<vmem>>)
    %scan3A_46 = arith.constant 0 : i32
    %scan3A_47 = arith.constant 48 : i32
    %scan3A_48 = arith.constant 49 : i32
    %scan3A_49 = arith.addi %scan3A_47, %scan3A_48 : i32
    %scan3A_50 = arith.constant 1 : i32
    %scan3A_51 = scf.for %scan3A_98 = %scan3A_47 to %scan3A_49 step %scan3A_50 iter_args(%scan3A_99 = %scan3A_46) -> (i32)  : i32 {
      %mul3A_100 = arith.constant 16 : i32
      %mul3A_101 = arith.muli %scan3A_98, %mul3A_100 : i32
      %add3A_102 = arith.constant 0 : i32
      %add3A_103 = arith.addi %mul3A_101, %add3A_102 : i32
      %mul3A_104 = arith.constant 16 : i32
      %mul3A_105 = arith.muli %add3A_103, %mul3A_104 : i32
      %get3A_106 = arith.index_cast %mul3A_105 : i32 to index
      %get3A_107 = tpu.vector_load %arg4[%get3A_106] {strides = array<i32>} : memref<25008xi32, #tpu.memory_space<vmem>>, vector<16xi32>,
      %mul3A_108 = arith.constant 16 : i32
      %mul3A_109 = arith.muli %scan3A_98, %mul3A_108 : i32
      %add3A_110 = arith.constant 1 : i32
      %add3A_111 = arith.addi %mul3A_109, %add3A_110 : i32
      %mul3A_112 = arith.constant 16 : i32
      %mul3A_113 = arith.muli %add3A_111, %mul3A_112 : i32
      %get3A_114 = arith.index_cast %mul3A_113 : i32 to index
      %get3A_115 = tpu.vector_load %arg4[%get3A_114] {strides = array<i32>} : memref<25008xi32, #tpu.memory_space<vmem>>, vector<16xi32>,
      %mul3A_116 = arith.constant 16 : i32
      %mul3A_117 = arith.muli %scan3A_98, %mul3A_116 : i32
      %add3A_118 = arith.constant 2 : i32
      %add3A_119 = arith.addi %mul3A_117, %add3A_118 : i32
      %mul3A_120 = arith.constant 16 : i32
      %mul3A_121 = arith.muli %add3A_119, %mul3A_120 : i32
      %get3A_122 = arith.index_cast %mul3A_121 : i32 to index
      %get3A_123 = tpu.vector_load %arg4[%get3A_122] {strides = array<i32>} : memref<25008xi32, #tpu.memory_space<vmem>>, vector<16xi32>,
      %mul3A_124 = arith.constant 16 : i32
      %mul3A_125 = arith.muli %scan3A_98, %mul3A_124 : i32
      %add3A_126 = arith.constant 3 : i32
      %add3A_127 = arith.addi %mul3A_125, %add3A_126 : i32
      %mul3A_128 = arith.constant 16 : i32
      %mul3A_129 = arith.muli %add3A_127, %mul3A_128 : i32
      %get3A_130 = arith.index_cast %mul3A_129 : i32 to index
      %get3A_131 = tpu.vector_load %arg4[%get3A_130] {strides = array<i32>} : memref<25008xi32, #tpu.memory_space<vmem>>, vector<16xi32>,
      %mul3A_132 = arith.constant 16 : i32
      %mul3A_133 = arith.muli %scan3A_98, %mul3A_132 : i32
      %add3A_134 = arith.constant 4 : i32
      %add3A_135 = arith.addi %mul3A_133, %add3A_134 : i32
      %mul3A_136 = arith.constant 16 : i32
      %mul3A_137 = arith.muli %add3A_135, %mul3A_136 : i32
      %get3A_138 = arith.index_cast %mul3A_137 : i32 to index
      %get3A_139 = tpu.vector_load %arg4[%get3A_138] {strides = array<i32>} : memref<25008xi32, #tpu.memory_space<vmem>>, vector<16xi32>,
      %mul3A_140 = arith.constant 16 : i32
      %mul3A_141 = arith.muli %scan3A_98, %mul3A_140 : i32
      %add3A_142 = arith.constant 5 : i32
      %add3A_143 = arith.addi %mul3A_141, %add3A_142 : i32
      %mul3A_144 = arith.constant 16 : i32
      %mul3A_145 = arith.muli %add3A_143, %mul3A_144 : i32
      %get3A_146 = arith.index_cast %mul3A_145 : i32 to index
      %get3A_147 = tpu.vector_load %arg4[%get3A_146] {strides = array<i32>} : memref<25008xi32, #tpu.memory_space<vmem>>, vector<16xi32>,
      %mul3A_148 = arith.constant 16 : i32
      %mul3A_149 = arith.muli %scan3A_98, %mul3A_148 : i32
      %add3A_150 = arith.constant 6 : i32
      %add3A_151 = arith.addi %mul3A_149, %add3A_150 : i32
      %mul3A_152 = arith.constant 16 : i32
      %mul3A_153 = arith.muli %add3A_151, %mul3A_152 : i32
      %get3A_154 = arith.index_cast %mul3A_153 : i32 to index
      %get3A_155 = tpu.vector_load %arg4[%get3A_154] {strides = array<i32>} : memref<25008xi32, #tpu.memory_space<vmem>>, vector<16xi32>,
      %mul3A_156 = arith.constant 16 : i32
      %mul3A_157 = arith.muli %scan3A_98, %mul3A_156 : i32
      %add3A_158 = arith.constant 7 : i32
      %add3A_159 = arith.addi %mul3A_157, %add3A_158 : i32
      %mul3A_160 = arith.constant 16 : i32
      %mul3A_161 = arith.muli %add3A_159, %mul3A_160 : i32
      %get3A_162 = arith.index_cast %mul3A_161 : i32 to index
      %get3A_163 = tpu.vector_load %arg4[%get3A_162] {strides = array<i32>} : memref<25008xi32, #tpu.memory_space<vmem>>, vector<16xi32>,
      %mul3A_164 = arith.constant 16 : i32
      %mul3A_165 = arith.muli %scan3A_98, %mul3A_164 : i32
      %add3A_166 = arith.constant 8 : i32
      %add3A_167 = arith.addi %mul3A_165, %add3A_166 : i32
      %mul3A_168 = arith.constant 16 : i32
      %mul3A_169 = arith.muli %add3A_167, %mul3A_168 : i32
      %get3A_170 = arith.index_cast %mul3A_169 : i32 to index
      %get3A_171 = tpu.vector_load %arg4[%get3A_170] {strides = array<i32>} : memref<25008xi32, #tpu.memory_space<vmem>>, vector<16xi32>,
      %mul3A_172 = arith.constant 16 : i32
      %mul3A_173 = arith.muli %scan3A_98, %mul3A_172 : i32
      %add3A_174 = arith.constant 9 : i32
      %add3A_175 = arith.addi %mul3A_173, %add3A_174 : i32
      %mul3A_176 = arith.constant 16 : i32
      %mul3A_177 = arith.muli %add3A_175, %mul3A_176 : i32
      %get3A_178 = arith.index_cast %mul3A_177 : i32 to index
      %get3A_179 = tpu.vector_load %arg4[%get3A_178] {strides = array<i32>} : memref<25008xi32, #tpu.memory_space<vmem>>, vector<16xi32>,
      %mul3A_180 = arith.constant 16 : i32
      %mul3A_181 = arith.muli %scan3A_98, %mul3A_180 : i32
      %add3A_182 = arith.constant 10 : i32
      %add3A_183 = arith.addi %mul3A_181, %add3A_182 : i32
      %mul3A_184 = arith.constant 16 : i32
      %mul3A_185 = arith.muli %add3A_183, %mul3A_184 : i32
      %get3A_186 = arith.index_cast %mul3A_185 : i32 to index
      %get3A_187 = tpu.vector_load %arg4[%get3A_186] {strides = array<i32>} : memref<25008xi32, #tpu.memory_space<vmem>>, vector<16xi32>,
      %mul3A_188 = arith.constant 16 : i32
      %mul3A_189 = arith.muli %scan3A_98, %mul3A_188 : i32
      %add3A_190 = arith.constant 11 : i32
      %add3A_191 = arith.addi %mul3A_189, %add3A_190 : i32
      %mul3A_192 = arith.constant 16 : i32
      %mul3A_193 = arith.muli %add3A_191, %mul3A_192 : i32
      %get3A_194 = arith.index_cast %mul3A_193 : i32 to index
      %get3A_195 = tpu.vector_load %arg4[%get3A_194] {strides = array<i32>} : memref<25008xi32, #tpu.memory_space<vmem>>, vector<16xi32>,
      %mul3A_196 = arith.constant 16 : i32
      %mul3A_197 = arith.muli %scan3A_98, %mul3A_196 : i32
      %add3A_198 = arith.constant 12 : i32
      %add3A_199 = arith.addi %mul3A_197, %add3A_198 : i32
      %mul3A_200 = arith.constant 16 : i32
      %mul3A_201 = arith.muli %add3A_199, %mul3A_200 : i32
      %get3A_202 = arith.index_cast %mul3A_201 : i32 to index
      %get3A_203 = tpu.vector_load %arg4[%get3A_202] {strides = array<i32>} : memref<25008xi32, #tpu.memory_space<vmem>>, vector<16xi32>,
      %mul3A_204 = arith.constant 16 : i32
      %mul3A_205 = arith.muli %scan3A_98, %mul3A_204 : i32
      %add3A_206 = arith.constant 13 : i32
      %add3A_207 = arith.addi %mul3A_205, %add3A_206 : i32
      %mul3A_208 = arith.constant 16 : i32
      %mul3A_209 = arith.muli %add3A_207, %mul3A_208 : i32
      %get3A_210 = arith.index_cast %mul3A_209 : i32 to index
      %get3A_211 = tpu.vector_load %arg4[%get3A_210] {strides = array<i32>} : memref<25008xi32, #tpu.memory_space<vmem>>, vector<16xi32>,
      %mul3A_212 = arith.constant 16 : i32
      %mul3A_213 = arith.muli %scan3A_98, %mul3A_212 : i32
      %add3A_214 = arith.constant 14 : i32
      %add3A_215 = arith.addi %mul3A_213, %add3A_214 : i32
      %mul3A_216 = arith.constant 16 : i32
      %mul3A_217 = arith.muli %add3A_215, %mul3A_216 : i32
      %get3A_218 = arith.index_cast %mul3A_217 : i32 to index
      %get3A_219 = tpu.vector_load %arg4[%get3A_218] {strides = array<i32>} : memref<25008xi32, #tpu.memory_space<vmem>>, vector<16xi32>,
      %mul3A_220 = arith.constant 16 : i32
      %mul3A_221 = arith.muli %scan3A_98, %mul3A_220 : i32
      %add3A_222 = arith.constant 15 : i32
      %add3A_223 = arith.addi %mul3A_221, %add3A_222 : i32
      %mul3A_224 = arith.constant 16 : i32
      %mul3A_225 = arith.muli %add3A_223, %mul3A_224 : i32
      %get3A_226 = arith.index_cast %mul3A_225 : i32 to index
      %get3A_227 = tpu.vector_load %arg4[%get3A_226] {strides = array<i32>} : memref<25008xi32, #tpu.memory_space<vmem>>, vector<16xi32>,
      %add3A_228 = arith.addi %mul3A_25, %get3A_107 : vector<16xi32>
      %add3A_229 = arith.addi %mul3A_25, %get3A_115 : vector<16xi32>
      %add3A_230 = arith.addi %mul3A_25, %get3A_123 : vector<16xi32>
      %add3A_231 = arith.addi %mul3A_25, %get3A_131 : vector<16xi32>
      %add3A_232 = arith.addi %mul3A_25, %get3A_139 : vector<16xi32>
      %add3A_233 = arith.addi %mul3A_25, %get3A_147 : vector<16xi32>
      %add3A_234 = arith.addi %mul3A_25, %get3A_155 : vector<16xi32>
      %add3A_235 = arith.addi %mul3A_25, %get3A_163 : vector<16xi32>
      %add3A_236 = arith.addi %mul3A_25, %get3A_171 : vector<16xi32>
      %add3A_237 = arith.addi %mul3A_25, %get3A_179 : vector<16xi32>
      %add3A_238 = arith.addi %mul3A_25, %get3A_187 : vector<16xi32>
      %add3A_239 = arith.addi %mul3A_25, %get3A_195 : vector<16xi32>
      %add3A_240 = arith.addi %mul3A_25, %get3A_203 : vector<16xi32>
      %add3A_241 = arith.addi %mul3A_25, %get3A_211 : vector<16xi32>
      %add3A_242 = arith.addi %mul3A_25, %get3A_219 : vector<16xi32>
      %add3A_243 = arith.addi %mul3A_25, %get3A_227 : vector<16xi32>
      tpu.vector_store_idx %arg5[%add3A_228], %broadcast_in_dim3A_27 {add = true} : memref<8192xi32, #tpu.memory_space<vmem>>[vector<16xi32>], vector<16xi32>,
      tpu.vector_store_idx %arg5[%add3A_229], %broadcast_in_dim3A_27 {add = true} : memref<8192xi32, #tpu.memory_space<vmem>>[vector<16xi32>], vector<16xi32>,
      tpu.vector_store_idx %arg5[%add3A_230], %broadcast_in_dim3A_27 {add = true} : memref<8192xi32, #tpu.memory_space<vmem>>[vector<16xi32>], vector<16xi32>,
      tpu.vector_store_idx %arg5[%add3A_231], %broadcast_in_dim3A_27 {add = true} : memref<8192xi32, #tpu.memory_space<vmem>>[vector<16xi32>], vector<16xi32>,
      tpu.vector_store_idx %arg5[%add3A_232], %broadcast_in_dim3A_27 {add = true} : memref<8192xi32, #tpu.memory_space<vmem>>[vector<16xi32>], vector<16xi32>,
      tpu.vector_store_idx %arg5[%add3A_233], %broadcast_in_dim3A_27 {add = true} : memref<8192xi32, #tpu.memory_space<vmem>>[vector<16xi32>], vector<16xi32>,
      tpu.vector_store_idx %arg5[%add3A_234], %broadcast_in_dim3A_27 {add = true} : memref<8192xi32, #tpu.memory_space<vmem>>[vector<16xi32>], vector<16xi32>,
      tpu.vector_store_idx %arg5[%add3A_235], %broadcast_in_dim3A_27 {add = true} : memref<8192xi32, #tpu.memory_space<vmem>>[vector<16xi32>], vector<16xi32>,
      tpu.vector_store_idx %arg5[%add3A_236], %broadcast_in_dim3A_27 {add = true} : memref<8192xi32, #tpu.memory_space<vmem>>[vector<16xi32>], vector<16xi32>,
      tpu.vector_store_idx %arg5[%add3A_237], %broadcast_in_dim3A_27 {add = true} : memref<8192xi32, #tpu.memory_space<vmem>>[vector<16xi32>], vector<16xi32>,
      tpu.vector_store_idx %arg5[%add3A_238], %broadcast_in_dim3A_27 {add = true} : memref<8192xi32, #tpu.memory_space<vmem>>[vector<16xi32>], vector<16xi32>,
      tpu.vector_store_idx %arg5[%add3A_239], %broadcast_in_dim3A_27 {add = true} : memref<8192xi32, #tpu.memory_space<vmem>>[vector<16xi32>], vector<16xi32>,
      tpu.vector_store_idx %arg5[%add3A_240], %broadcast_in_dim3A_27 {add = true} : memref<8192xi32, #tpu.memory_space<vmem>>[vector<16xi32>], vector<16xi32>,
      tpu.vector_store_idx %arg5[%add3A_241], %broadcast_in_dim3A_27 {add = true} : memref<8192xi32, #tpu.memory_space<vmem>>[vector<16xi32>], vector<16xi32>,
      tpu.vector_store_idx %arg5[%add3A_242], %broadcast_in_dim3A_27 {add = true} : memref<8192xi32, #tpu.memory_space<vmem>>[vector<16xi32>], vector<16xi32>,
      tpu.vector_store_idx %arg5[%add3A_243], %broadcast_in_dim3A_27 {add = true} : memref<8192xi32, #tpu.memory_space<vmem>>[vector<16xi32>], vector<16xi32>,
      %scan3A_244 = arith.constant 0 : i32
      scf.yield %scan3A_244 : i32
    }
    %scan3A_52 = arith.constant 49 : i32
    %get3A = arith.constant 24832 : index
    %get3A_53 = tpu.vector_load %arg4[%get3A] {strides = array<i32>} : memref<25008xi32, #tpu.memory_space<vmem>>, vector<16xi32>,
    %get3A_54 = arith.constant 24848 : index
    %get3A_55 = tpu.vector_load %arg4[%get3A_54] {strides = array<i32>} : memref<25008xi32, #tpu.memory_space<vmem>>, vector<16xi32>,
    %get3A_56 = arith.constant 24864 : index
    %get3A_57 = tpu.vector_load %arg4[%get3A_56] {strides = array<i32>} : memref<25008xi32, #tpu.memory_space<vmem>>, vector<16xi32>,
    %get3A_58 = arith.constant 24880 : index
    %get3A_59 = tpu.vector_load %arg4[%get3A_58] {strides = array<i32>} : memref<25008xi32, #tpu.memory_space<vmem>>, vector<16xi32>,
    %get3A_60 = arith.constant 24896 : index
    %get3A_61 = tpu.vector_load %arg4[%get3A_60] {strides = array<i32>} : memref<25008xi32, #tpu.memory_space<vmem>>, vector<16xi32>,
    %get3A_62 = arith.constant 24912 : index
    %get3A_63 = tpu.vector_load %arg4[%get3A_62] {strides = array<i32>} : memref<25008xi32, #tpu.memory_space<vmem>>, vector<16xi32>,
    %get3A_64 = arith.constant 24928 : index
    %get3A_65 = tpu.vector_load %arg4[%get3A_64] {strides = array<i32>} : memref<25008xi32, #tpu.memory_space<vmem>>, vector<16xi32>,
    %get3A_66 = arith.constant 24944 : index
    %get3A_67 = tpu.vector_load %arg4[%get3A_66] {strides = array<i32>} : memref<25008xi32, #tpu.memory_space<vmem>>, vector<16xi32>,
    %get3A_68 = arith.constant 24960 : index
    %get3A_69 = tpu.vector_load %arg4[%get3A_68] {strides = array<i32>} : memref<25008xi32, #tpu.memory_space<vmem>>, vector<16xi32>,
    %get3A_70 = arith.constant 24976 : index
    %get3A_71 = tpu.vector_load %arg4[%get3A_70] {strides = array<i32>} : memref<25008xi32, #tpu.memory_space<vmem>>, vector<16xi32>,
    %add3A_72 = arith.addi %mul3A_25, %get3A_53 : vector<16xi32>
    tpu.vector_store_idx %arg5[%add3A_72], %broadcast_in_dim3A_27 {add = true} : memref<8192xi32, #tpu.memory_space<vmem>>[vector<16xi32>], vector<16xi32>,
    %add3A_73 = arith.addi %mul3A_25, %get3A_55 : vector<16xi32>
    tpu.vector_store_idx %arg5[%add3A_73], %broadcast_in_dim3A_27 {add = true} : memref<8192xi32, #tpu.memory_space<vmem>>[vector<16xi32>], vector<16xi32>,
    %add3A_74 = arith.addi %mul3A_25, %get3A_57 : vector<16xi32>
    tpu.vector_store_idx %arg5[%add3A_74], %broadcast_in_dim3A_27 {add = true} : memref<8192xi32, #tpu.memory_space<vmem>>[vector<16xi32>], vector<16xi32>,
    %add3A_75 = arith.addi %mul3A_25, %get3A_59 : vector<16xi32>
    tpu.vector_store_idx %arg5[%add3A_75], %broadcast_in_dim3A_27 {add = true} : memref<8192xi32, #tpu.memory_space<vmem>>[vector<16xi32>], vector<16xi32>,
    %add3A_76 = arith.addi %mul3A_25, %get3A_61 : vector<16xi32>
    tpu.vector_store_idx %arg5[%add3A_76], %broadcast_in_dim3A_27 {add = true} : memref<8192xi32, #tpu.memory_space<vmem>>[vector<16xi32>], vector<16xi32>,
    %add3A_77 = arith.addi %mul3A_25, %get3A_63 : vector<16xi32>
    tpu.vector_store_idx %arg5[%add3A_77], %broadcast_in_dim3A_27 {add = true} : memref<8192xi32, #tpu.memory_space<vmem>>[vector<16xi32>], vector<16xi32>,
    %add3A_78 = arith.addi %mul3A_25, %get3A_65 : vector<16xi32>
    tpu.vector_store_idx %arg5[%add3A_78], %broadcast_in_dim3A_27 {add = true} : memref<8192xi32, #tpu.memory_space<vmem>>[vector<16xi32>], vector<16xi32>,
    %add3A_79 = arith.addi %mul3A_25, %get3A_67 : vector<16xi32>
    tpu.vector_store_idx %arg5[%add3A_79], %broadcast_in_dim3A_27 {add = true} : memref<8192xi32, #tpu.memory_space<vmem>>[vector<16xi32>], vector<16xi32>,
    %add3A_80 = arith.addi %mul3A_25, %get3A_69 : vector<16xi32>
    tpu.vector_store_idx %arg5[%add3A_80], %broadcast_in_dim3A_27 {add = true} : memref<8192xi32, #tpu.memory_space<vmem>>[vector<16xi32>], vector<16xi32>,
    %add3A_81 = arith.addi %mul3A_25, %get3A_71 : vector<16xi32>
    tpu.vector_store_idx %arg5[%add3A_81], %broadcast_in_dim3A_27 {add = true} : memref<8192xi32, #tpu.memory_space<vmem>>[vector<16xi32>], vector<16xi32>,
    %get3A_82 = arith.constant 24992 : index
    %get3A_83 = tpu.vector_load %arg4[%get3A_82] {strides = array<i32>} : memref<25008xi32, #tpu.memory_space<vmem>>, vector<16xi32>,
    %jit3A = arith.constant 0 : i32
    %jit3A_84 = arith.constant 511 : i32
    %max3A = vector.broadcast %jit3A : i32 to vector<16xi32>
    %max3A_85 = arith.maxsi %max3A, %get3A_83 : vector<16xi32>
    %min3A = vector.broadcast %jit3A_84 : i32 to vector<16xi32>
    %min3A_86 = arith.minsi %min3A, %max3A_85 : vector<16xi32>
    %iota3A_87 = tpu.iota {dimensions = array<i32: 0>} : vector<16xi32>
    %lt3A = arith.constant 8 : i32
    %lt3A_88 = vector.broadcast %lt3A : i32 to vector<16xi32>
    %lt3A_89 = arith.cmpi slt, %iota3A_87, %lt3A_88 : vector<16xi32>
    %add3A_90 = arith.addi %mul3A_25, %min3A_86 : vector<16xi32>
    tpu.vector_store_idx %arg5[%add3A_90], %broadcast_in_dim3A_27 masked %lt3A_89 {add = true} : memref<8192xi32, #tpu.memory_space<vmem>>[vector<16xi32>], vector<16xi32>, vector<16xi1>
    %scan3A_91 = arith.constant 0 : i32
    %scan3A_92 = arith.constant 0 : i32
    %scan3A_93 = arith.constant 32 : i32
    %scan3A_94 = arith.addi %scan3A_92, %scan3A_93 : i32
    %scan3A_95 = arith.constant 1 : i32
    %scan3A_96 = scf.for %scan3A_98 = %scan3A_92 to %scan3A_94 step %scan3A_95 iter_args(%scan3A_99 = %scan3A_91) -> (i32)  : i32 {
      %mul3A_100 = arith.constant 16 : i32
      %mul3A_101 = arith.muli %scan3A_98, %mul3A_100 : i32
      %add3A_102 = arith.constant 0 : i32
      %add3A_103 = arith.addi %add3A_102, %mul3A_101 : i32
      %get3A_104 = arith.index_cast %add3A_103 : i32 to index
      %get3A_105 = tpu.vector_load %arg5[%get3A_104] {strides = array<i32>} : memref<8192xi32, #tpu.memory_space<vmem>>, vector<16xi32>,
      %mul3A_106 = arith.constant 16 : i32
      %mul3A_107 = arith.muli %scan3A_98, %mul3A_106 : i32
      %add3A_108 = arith.constant 512 : i32
      %add3A_109 = arith.addi %add3A_108, %mul3A_107 : i32
      %get3A_110 = arith.index_cast %add3A_109 : i32 to index
      %get3A_111 = tpu.vector_load %arg5[%get3A_110] {strides = array<i32>} : memref<8192xi32, #tpu.memory_space<vmem>>, vector<16xi32>,
      %mul3A_112 = arith.constant 16 : i32
      %mul3A_113 = arith.muli %scan3A_98, %mul3A_112 : i32
      %add3A_114 = arith.constant 1024 : i32
      %add3A_115 = arith.addi %add3A_114, %mul3A_113 : i32
      %get3A_116 = arith.index_cast %add3A_115 : i32 to index
      %get3A_117 = tpu.vector_load %arg5[%get3A_116] {strides = array<i32>} : memref<8192xi32, #tpu.memory_space<vmem>>, vector<16xi32>,
      %mul3A_118 = arith.constant 16 : i32
      %mul3A_119 = arith.muli %scan3A_98, %mul3A_118 : i32
      %add3A_120 = arith.constant 1536 : i32
      %add3A_121 = arith.addi %add3A_120, %mul3A_119 : i32
      %get3A_122 = arith.index_cast %add3A_121 : i32 to index
      %get3A_123 = tpu.vector_load %arg5[%get3A_122] {strides = array<i32>} : memref<8192xi32, #tpu.memory_space<vmem>>, vector<16xi32>,
      %mul3A_124 = arith.constant 16 : i32
      %mul3A_125 = arith.muli %scan3A_98, %mul3A_124 : i32
      %add3A_126 = arith.constant 2048 : i32
      %add3A_127 = arith.addi %add3A_126, %mul3A_125 : i32
      %get3A_128 = arith.index_cast %add3A_127 : i32 to index
      %get3A_129 = tpu.vector_load %arg5[%get3A_128] {strides = array<i32>} : memref<8192xi32, #tpu.memory_space<vmem>>, vector<16xi32>,
      %mul3A_130 = arith.constant 16 : i32
      %mul3A_131 = arith.muli %scan3A_98, %mul3A_130 : i32
      %add3A_132 = arith.constant 2560 : i32
      %add3A_133 = arith.addi %add3A_132, %mul3A_131 : i32
      %get3A_134 = arith.index_cast %add3A_133 : i32 to index
      %get3A_135 = tpu.vector_load %arg5[%get3A_134] {strides = array<i32>} : memref<8192xi32, #tpu.memory_space<vmem>>, vector<16xi32>,
      %mul3A_136 = arith.constant 16 : i32
      %mul3A_137 = arith.muli %scan3A_98, %mul3A_136 : i32
      %add3A_138 = arith.constant 3072 : i32
      %add3A_139 = arith.addi %add3A_138, %mul3A_137 : i32
      %get3A_140 = arith.index_cast %add3A_139 : i32 to index
      %get3A_141 = tpu.vector_load %arg5[%get3A_140] {strides = array<i32>} : memref<8192xi32, #tpu.memory_space<vmem>>, vector<16xi32>,
      %mul3A_142 = arith.constant 16 : i32
      %mul3A_143 = arith.muli %scan3A_98, %mul3A_142 : i32
      %add3A_144 = arith.constant 3584 : i32
      %add3A_145 = arith.addi %add3A_144, %mul3A_143 : i32
      %get3A_146 = arith.index_cast %add3A_145 : i32 to index
      %get3A_147 = tpu.vector_load %arg5[%get3A_146] {strides = array<i32>} : memref<8192xi32, #tpu.memory_space<vmem>>, vector<16xi32>,
      %mul3A_148 = arith.constant 16 : i32
      %mul3A_149 = arith.muli %scan3A_98, %mul3A_148 : i32
      %add3A_150 = arith.constant 4096 : i32
      %add3A_151 = arith.addi %add3A_150, %mul3A_149 : i32
      %get3A_152 = arith.index_cast %add3A_151 : i32 to index
      %get3A_153 = tpu.vector_load %arg5[%get3A_152] {strides = array<i32>} : memref<8192xi32, #tpu.memory_space<vmem>>, vector<16xi32>,
      %mul3A_154 = arith.constant 16 : i32
      %mul3A_155 = arith.muli %scan3A_98, %mul3A_154 : i32
      %add3A_156 = arith.constant 4608 : i32
      %add3A_157 = arith.addi %add3A_156, %mul3A_155 : i32
      %get3A_158 = arith.index_cast %add3A_157 : i32 to index
      %get3A_159 = tpu.vector_load %arg5[%get3A_158] {strides = array<i32>} : memref<8192xi32, #tpu.memory_space<vmem>>, vector<16xi32>,
      %mul3A_160 = arith.constant 16 : i32
      %mul3A_161 = arith.muli %scan3A_98, %mul3A_160 : i32
      %add3A_162 = arith.constant 5120 : i32
      %add3A_163 = arith.addi %add3A_162, %mul3A_161 : i32
      %get3A_164 = arith.index_cast %add3A_163 : i32 to index
      %get3A_165 = tpu.vector_load %arg5[%get3A_164] {strides = array<i32>} : memref<8192xi32, #tpu.memory_space<vmem>>, vector<16xi32>,
      %mul3A_166 = arith.constant 16 : i32
      %mul3A_167 = arith.muli %scan3A_98, %mul3A_166 : i32
      %add3A_168 = arith.constant 5632 : i32
      %add3A_169 = arith.addi %add3A_168, %mul3A_167 : i32
      %get3A_170 = arith.index_cast %add3A_169 : i32 to index
      %get3A_171 = tpu.vector_load %arg5[%get3A_170] {strides = array<i32>} : memref<8192xi32, #tpu.memory_space<vmem>>, vector<16xi32>,
      %mul3A_172 = arith.constant 16 : i32
      %mul3A_173 = arith.muli %scan3A_98, %mul3A_172 : i32
      %add3A_174 = arith.constant 6144 : i32
      %add3A_175 = arith.addi %add3A_174, %mul3A_173 : i32
      %get3A_176 = arith.index_cast %add3A_175 : i32 to index
      %get3A_177 = tpu.vector_load %arg5[%get3A_176] {strides = array<i32>} : memref<8192xi32, #tpu.memory_space<vmem>>, vector<16xi32>,
      %mul3A_178 = arith.constant 16 : i32
      %mul3A_179 = arith.muli %scan3A_98, %mul3A_178 : i32
      %add3A_180 = arith.constant 6656 : i32
      %add3A_181 = arith.addi %add3A_180, %mul3A_179 : i32
      %get3A_182 = arith.index_cast %add3A_181 : i32 to index
      %get3A_183 = tpu.vector_load %arg5[%get3A_182] {strides = array<i32>} : memref<8192xi32, #tpu.memory_space<vmem>>, vector<16xi32>,
      %mul3A_184 = arith.constant 16 : i32
      %mul3A_185 = arith.muli %scan3A_98, %mul3A_184 : i32
      %add3A_186 = arith.constant 7168 : i32
      %add3A_187 = arith.addi %add3A_186, %mul3A_185 : i32
      %get3A_188 = arith.index_cast %add3A_187 : i32 to index
      %get3A_189 = tpu.vector_load %arg5[%get3A_188] {strides = array<i32>} : memref<8192xi32, #tpu.memory_space<vmem>>, vector<16xi32>,
      %mul3A_190 = arith.constant 16 : i32
      %mul3A_191 = arith.muli %scan3A_98, %mul3A_190 : i32
      %add3A_192 = arith.constant 7680 : i32
      %add3A_193 = arith.addi %add3A_192, %mul3A_191 : i32
      %get3A_194 = arith.index_cast %add3A_193 : i32 to index
      %get3A_195 = tpu.vector_load %arg5[%get3A_194] {strides = array<i32>} : memref<8192xi32, #tpu.memory_space<vmem>>, vector<16xi32>,
      %add3A_196 = arith.addi %get3A_105, %get3A_111 : vector<16xi32>
      %add3A_197 = arith.addi %get3A_117, %get3A_123 : vector<16xi32>
      %add3A_198 = arith.addi %get3A_129, %get3A_135 : vector<16xi32>
      %add3A_199 = arith.addi %get3A_141, %get3A_147 : vector<16xi32>
      %add3A_200 = arith.addi %get3A_153, %get3A_159 : vector<16xi32>
      %add3A_201 = arith.addi %get3A_165, %get3A_171 : vector<16xi32>
      %add3A_202 = arith.addi %get3A_177, %get3A_183 : vector<16xi32>
      %add3A_203 = arith.addi %get3A_189, %get3A_195 : vector<16xi32>
      %add3A_204 = arith.addi %add3A_196, %add3A_197 : vector<16xi32>
      %add3A_205 = arith.addi %add3A_198, %add3A_199 : vector<16xi32>
      %add3A_206 = arith.addi %add3A_200, %add3A_201 : vector<16xi32>
      %add3A_207 = arith.addi %add3A_202, %add3A_203 : vector<16xi32>
      %add3A_208 = arith.addi %add3A_204, %add3A_205 : vector<16xi32>
      %add3A_209 = arith.addi %add3A_206, %add3A_207 : vector<16xi32>
      %add3A_210 = arith.addi %add3A_208, %add3A_209 : vector<16xi32>
      %mul3A_211 = arith.constant 16 : i32
      %mul3A_212 = arith.muli %scan3A_98, %mul3A_211 : i32
      %swap3A = arith.index_cast %mul3A_212 : i32 to index
      %swap3A_213 = tpu.vector_load %arg6[%swap3A] {strides = array<i32>} : memref<512xi32, #tpu.memory_space<vmem>>, vector<16xi32>,
      tpu.vector_store %arg6[%swap3A], %add3A_210 {strides = array<i32>} : memref<512xi32, #tpu.memory_space<vmem>>, vector<16xi32>,
      %scan3A_214 = arith.constant 0 : i32
      scf.yield %scan3A_214 : i32
    }
    %scan3A_97 = arith.constant 32 : i32
    "tpu.region"() ({
      %run_scoped3A = tpu.sem_alloc : memref<!tpu.dma_semaphore, #tpu.memory_space<semaphore_mem>>
      %dma_start3A_98 = arith.constant 0 : i32
      %dma_start3A_99 = tpu.memref_slice %arg3[%add3A, %dma_start3A_98] : memref<32x512xi32, #tpu.memory_space<hbm>> -> memref<1x512xi32, #tpu.memory_space<hbm>>
      %dma_start3A_100 = tpu.memref_squeeze %dma_start3A_99 : memref<1x512xi32, #tpu.memory_space<hbm>> -> memref<512xi32, #tpu.memory_space<hbm>>
      %dma_start3A_101 = arith.constant 0 : i32
      %dma_start3A_102 = tpu.memref_slice %arg3[%add3A, %dma_start3A_101] : memref<32x512xi32, #tpu.memory_space<hbm>> -> memref<1x512xi32, #tpu.memory_space<hbm>>
      %dma_start3A_103 = tpu.memref_squeeze %dma_start3A_102 : memref<1x512xi32, #tpu.memory_space<hbm>> -> memref<512xi32, #tpu.memory_space<hbm>>
      tpu.enqueue_dma source(%arg6 : memref<512xi32, #tpu.memory_space<vmem>>) target(%dma_start3A_103 : memref<512xi32, #tpu.memory_space<hbm>>) target_semaphore(%run_scoped3A : memref<!tpu.dma_semaphore, #tpu.memory_space<semaphore_mem>>)
      %dma_wait3A_104 = arith.constant 0 : i32
      %dma_wait3A_105 = tpu.memref_slice %arg3[%add3A, %dma_wait3A_104] : memref<32x512xi32, #tpu.memory_space<hbm>> -> memref<1x512xi32, #tpu.memory_space<hbm>>
      %dma_wait3A_106 = tpu.memref_squeeze %dma_wait3A_105 : memref<1x512xi32, #tpu.memory_space<hbm>> -> memref<512xi32, #tpu.memory_space<hbm>>
      %dma_wait3A_107 = arith.constant 0 : i32
      %dma_wait3A_108 = tpu.memref_slice %arg3[%add3A, %dma_wait3A_107] : memref<32x512xi32, #tpu.memory_space<hbm>> -> memref<1x512xi32, #tpu.memory_space<hbm>>
      %dma_wait3A_109 = tpu.memref_squeeze %dma_wait3A_108 : memref<1x512xi32, #tpu.memory_space<hbm>> -> memref<512xi32, #tpu.memory_space<hbm>>
      tpu.wait_dma2 semaphore(%run_scoped3A : memref<!tpu.dma_semaphore, #tpu.memory_space<semaphore_mem>>) src(%arg6 : memref<512xi32, #tpu.memory_space<vmem>>) dst(%dma_wait3A_109 : memref<512xi32, #tpu.memory_space<hbm>>)
      tpu.yield
    }) : () -> ()
    return
  }
}

module attributes {stable_mosaic.version = 14 : i64} {
  func.func @_tc_sims_kernel(%arg0: memref<500x64xf32, #tpu.memory_space<vmem>>, %arg1: memref<500x64xf32, #tpu.memory_space<vmem>>, %arg2: memref<1x1xi32, #tpu.memory_space<vmem>>, %arg3: memref<32x64xf32, #tpu.memory_space<vmem>>, %arg4: memref<1x32xf32, #tpu.memory_space<vmem>>, %arg5: memref<1x32xf32, #tpu.memory_space<vmem>>, %arg6: memref<1x1xf32, #tpu.memory_space<vmem>>, %arg7: memref<1x512xf32, #tpu.memory_space<vmem>>, %arg8: memref<1x64xf32, #tpu.memory_space<vmem>>, %arg9: memref<1x1xf32, #tpu.memory_space<vmem>>) attributes {dimension_semantics = [], scalar_prefetch = 0 : i64, scratch_operands = 0 : i64, tpu.core_type = #tpu.core_type<tc>} {
    %get3A = arith.constant 0 : index
    %get3A_0 = arith.constant 0 : index
    %get3A_1 = vector.load %arg0[%get3A, %get3A_0] : memref<500x64xf32, #tpu.memory_space<vmem>>, vector<500x64xf32>
    %broadcast_in_dim3A = arith.constant 0.000000e+00 : f32
    %broadcast_in_dim3A_2 = vector.broadcast %broadcast_in_dim3A : f32 to vector<12x64xf32>
    %concatenate3A = tpu.concatenate %get3A_1, %broadcast_in_dim3A_2 in 0 : vector<500x64xf32>, vector<12x64xf32> -> vector<512x64xf32>
    %iota3A = tpu.iota {dimensions = array<i32: 1>} : vector<1x512xi32>
    %get3A_3 = arith.constant 0 : index
    %get3A_4 = arith.constant 0 : index
    %get3A_5 = vector.load %arg2[%get3A_3, %get3A_4] : memref<1x1xi32, #tpu.memory_space<vmem>>, vector<1x1xi32>
    %get3A_6 = vector.extract %get3A_5[0, 0] : i32 from vector<1x1xi32>
    %min3A = arith.constant 499 : i32
    %min3A_7 = arith.minsi %get3A_6, %min3A : i32
    %get3A_8 = arith.index_cast %min3A_7 : i32 to index
    %get3A_9 = arith.constant 0 : index
    %get3A_10 = vector.load %arg0[%get3A_8, %get3A_9] : memref<500x64xf32, #tpu.memory_space<vmem>>, vector<1x64xf32>
    %dot_general3A = arith.constant dense<0.000000e+00> : vector<1x512xf32>
    %dot_general3A_11 = tpu.matmul %get3A_10, %concatenate3A, %dot_general3A {dimension_numbers = #tpu.dot_dimension_numbers<[1], [1], [0], [0], [0, 0, 1, 0], [], []>, precision = #tpu.contract_precision<fp32>, transpose_lhs_hint = false} : vector<1x64xf32>, vector<512x64xf32>, vector<1x512xf32> -> vector<1x512xf32>
    %broadcast_in_dim3A_12 = arith.constant 1.000000e+00 : f32
    %broadcast_in_dim3A_13 = vector.broadcast %broadcast_in_dim3A_12 : f32 to vector<1x64xf32>
    %mul3A = arith.mulf %concatenate3A, %concatenate3A : vector<512x64xf32>
    %dot_general3A_14 = arith.constant dense<0.000000e+00> : vector<1x512xf32>
    %dot_general3A_15 = tpu.matmul %broadcast_in_dim3A_13, %mul3A, %dot_general3A_14 {dimension_numbers = #tpu.dot_dimension_numbers<[1], [1], [0], [0], [0, 0, 1, 0], [], []>, precision = #tpu.contract_precision<fp32>, transpose_lhs_hint = false} : vector<1x64xf32>, vector<512x64xf32>, vector<1x512xf32> -> vector<1x512xf32>
    %sqrt3A = math.sqrt %dot_general3A_15 : vector<1x512xf32>
    %eq3A = vector.broadcast %get3A_6 : i32 to vector<1x512xi32>
    %eq3A_16 = arith.cmpi eq, %iota3A, %eq3A : vector<1x512xi32>
    %jit3A = arith.constant 0.000000e+00 : f32
    %broadcast_in_dim3A_17 = vector.broadcast %jit3A : f32 to vector<1x512xf32>
    %select_n3A = arith.select %eq3A_16, %sqrt3A, %broadcast_in_dim3A_17 : vector<1x512xi1>, vector<1x512xf32>
    %reduce_sum3A = vector.shape_cast %select_n3A : vector<1x512xf32> to vector<1x1x512xf32>
    %reduce_sum3A_18 = arith.constant dense<0.000000e+00> : vector<1xf32>
    %reduce_sum3A_19 = vector.multi_reduction <add>, %reduce_sum3A, %reduce_sum3A_18 [1, 2] : vector<1x1x512xf32> to vector<1xf32>
    %reduce_sum3A_20 = vector.shape_cast %reduce_sum3A_19 : vector<1xf32> to vector<1x1x1xf32>
    %reduce_sum3A_21 = vector.extract %reduce_sum3A_20[0, 0, 0] : f32 from vector<1x1x1xf32>
    %mul3A_22 = vector.broadcast %reduce_sum3A_21 : f32 to vector<1x512xf32>
    %mul3A_23 = arith.mulf %sqrt3A, %mul3A_22 : vector<1x512xf32>
    %max3A = arith.constant 9.99999993E-9 : f32
    %max3A_24 = vector.broadcast %max3A : f32 to vector<1x512xf32>
    %max3A_25 = arith.maximumf %mul3A_23, %max3A_24 : vector<1x512xf32>
    %div3A = arith.divf %dot_general3A_11, %max3A_25 : vector<1x512xf32>
    %eq3A_26 = vector.broadcast %get3A_6 : i32 to vector<1x512xi32>
    %eq3A_27 = arith.cmpi eq, %iota3A, %eq3A_26 : vector<1x512xi32>
    %jit3A_28 = arith.constant 1.000000e+00 : f32
    %broadcast_in_dim3A_29 = vector.broadcast %jit3A_28 : f32 to vector<1x512xf32>
    %select_n3A_30 = arith.select %eq3A_27, %broadcast_in_dim3A_29, %div3A : vector<1x512xi1>, vector<1x512xf32>
    %swap3A = arith.constant 0 : index
    %swap3A_31 = arith.constant 0 : index
    %swap3A_32 = vector.load %arg7[%swap3A, %swap3A_31] : memref<1x512xf32, #tpu.memory_space<vmem>>, vector<1x512xf32>
    tpu.vector_store %arg7[%swap3A, %swap3A_31], %select_n3A_30 {strides = array<i32>} : memref<1x512xf32, #tpu.memory_space<vmem>>, vector<1x512xf32>,
    %min3A_33 = arith.constant 499 : i32
    %min3A_34 = arith.minsi %get3A_6, %min3A_33 : i32
    %get3A_35 = arith.index_cast %min3A_34 : i32 to index
    %get3A_36 = arith.constant 0 : index
    %get3A_37 = vector.load %arg1[%get3A_35, %get3A_36] : memref<500x64xf32, #tpu.memory_space<vmem>>, vector<1x64xf32>
    %swap3A_38 = arith.constant 0 : index
    %swap3A_39 = arith.constant 0 : index
    %swap3A_40 = vector.load %arg8[%swap3A_38, %swap3A_39] : memref<1x64xf32, #tpu.memory_space<vmem>>, vector<1x64xf32>
    tpu.vector_store %arg8[%swap3A_38, %swap3A_39], %get3A_37 {strides = array<i32>} : memref<1x64xf32, #tpu.memory_space<vmem>>, vector<1x64xf32>,
    %get3A_41 = arith.constant 0 : index
    %get3A_42 = arith.constant 0 : index
    %get3A_43 = vector.load %arg3[%get3A_41, %get3A_42] : memref<32x64xf32, #tpu.memory_space<vmem>>, vector<32x64xf32>
    %dot_general3A_44 = arith.constant dense<0.000000e+00> : vector<1x32xf32>
    %dot_general3A_45 = tpu.matmul %get3A_37, %get3A_43, %dot_general3A_44 {dimension_numbers = #tpu.dot_dimension_numbers<[1], [1], [0], [0], [0, 0, 1, 0], [], []>, precision = #tpu.contract_precision<fp32>, transpose_lhs_hint = false} : vector<1x64xf32>, vector<32x64xf32>, vector<1x32xf32> -> vector<1x32xf32>
    %get3A_46 = arith.constant 0 : index
    %get3A_47 = arith.constant 0 : index
    %get3A_48 = vector.load %arg4[%get3A_46, %get3A_47] : memref<1x32xf32, #tpu.memory_space<vmem>>, vector<1x32xf32>
    %add3A = arith.addf %dot_general3A_45, %get3A_48 : vector<1x32xf32>
    %max3A_49 = arith.constant 0.000000e+00 : f32
    %max3A_50 = vector.broadcast %max3A_49 : f32 to vector<1x32xf32>
    %max3A_51 = arith.maximumf %add3A, %max3A_50 : vector<1x32xf32>
    %get3A_52 = arith.constant 0 : index
    %get3A_53 = arith.constant 0 : index
    %get3A_54 = vector.load %arg5[%get3A_52, %get3A_53] : memref<1x32xf32, #tpu.memory_space<vmem>>, vector<1x32xf32>
    %mul3A_55 = arith.mulf %max3A_51, %get3A_54 : vector<1x32xf32>
    %reduce_sum3A_56 = vector.shape_cast %mul3A_55 : vector<1x32xf32> to vector<1x1x32xf32>
    %reduce_sum3A_57 = arith.constant dense<0.000000e+00> : vector<1xf32>
    %reduce_sum3A_58 = vector.multi_reduction <add>, %reduce_sum3A_56, %reduce_sum3A_57 [1, 2] : vector<1x1x32xf32> to vector<1xf32>
    %reduce_sum3A_59 = vector.shape_cast %reduce_sum3A_58 : vector<1xf32> to vector<1x1x1xf32>
    %reduce_sum3A_60 = vector.extract %reduce_sum3A_59[0, 0, 0] : f32 from vector<1x1x1xf32>
    %get3A_61 = arith.constant 0 : index
    %get3A_62 = arith.constant 0 : index
    %get3A_63 = vector.load %arg6[%get3A_61, %get3A_62] : memref<1x1xf32, #tpu.memory_space<vmem>>, vector<1x1xf32>
    %reduce_sum3A_64 = vector.shape_cast %get3A_63 : vector<1x1xf32> to vector<1x1x1xf32>
    %reduce_sum3A_65 = arith.constant dense<0.000000e+00> : vector<1xf32>
    %reduce_sum3A_66 = vector.multi_reduction <add>, %reduce_sum3A_64, %reduce_sum3A_65 [1, 2] : vector<1x1x1xf32> to vector<1xf32>
    %reduce_sum3A_67 = vector.shape_cast %reduce_sum3A_66 : vector<1xf32> to vector<1x1x1xf32>
    %reduce_sum3A_68 = vector.extract %reduce_sum3A_67[0, 0, 0] : f32 from vector<1x1x1xf32>
    %add3A_69 = arith.addf %reduce_sum3A_60, %reduce_sum3A_68 : f32
    %broadcast_in_dim3A_70 = vector.broadcast %add3A_69 : f32 to vector<1x128xf32>
    %logistic3A = arith.negf %broadcast_in_dim3A_70 : vector<1x128xf32>
    %logistic3A_71 = math.exp %logistic3A : vector<1x128xf32>
    %logistic3A_72 = arith.constant 1.000000e+00 : f32
    %logistic3A_73 = vector.broadcast %logistic3A_72 : f32 to vector<1x128xf32>
    %logistic3A_74 = arith.addf %logistic3A_73, %logistic3A_71 : vector<1x128xf32>
    %logistic3A_75 = arith.divf %logistic3A_73, %logistic3A_74 : vector<1x128xf32>
    %reduce_max3A = vector.shape_cast %logistic3A_75 : vector<1x128xf32> to vector<1x1x128xf32>
    %reduce_max3A_76 = arith.constant dense<0xFF800000> : vector<1xf32>
    %reduce_max3A_77 = vector.multi_reduction <maximumf>, %reduce_max3A, %reduce_max3A_76 [1, 2] : vector<1x1x128xf32> to vector<1xf32>
    %reduce_max3A_78 = vector.shape_cast %reduce_max3A_77 : vector<1xf32> to vector<1x1x1xf32>
    %reduce_max3A_79 = vector.extract %reduce_max3A_78[0, 0, 0] : f32 from vector<1x1x1xf32>
    %broadcast_in_dim3A_80 = vector.broadcast %reduce_max3A_79 : f32 to vector<1x1xf32>
    %swap3A_81 = arith.constant 0 : index
    %swap3A_82 = arith.constant 0 : index
    %swap3A_83 = vector.load %arg9[%swap3A_81, %swap3A_82] : memref<1x1xf32, #tpu.memory_space<vmem>>, vector<1x1xf32>
    tpu.vector_store %arg9[%swap3A_81, %swap3A_82], %broadcast_in_dim3A_80 {strides = array<i32>} : memref<1x1xf32, #tpu.memory_space<vmem>>, vector<1x1xf32>,
    return
  }
}

module attributes {stable_mosaic.version = 14 : i64} {
  func.func @_tc_fuse_kernel(%arg0: memref<32x512xi32, #tpu.memory_space<vmem>>, %arg1: memref<1x512xf32, #tpu.memory_space<vmem>>, %arg2: memref<1x64xf32, #tpu.memory_space<vmem>>, %arg3: memref<1x1xf32, #tpu.memory_space<vmem>>, %arg4: memref<500x64xf32, #tpu.memory_space<vmem>>, %arg5: memref<64x64xf32, #tpu.memory_space<vmem>>, %arg6: memref<1x64xf32, #tpu.memory_space<vmem>>, %arg7: memref<64x64xf32, #tpu.memory_space<vmem>>, %arg8: memref<1x64xf32, #tpu.memory_space<vmem>>, %arg9: memref<64x128xf32, #tpu.memory_space<vmem>>, %arg10: memref<1x64xf32, #tpu.memory_space<vmem>>, %arg11: memref<64x64xf32, #tpu.memory_space<vmem>>, %arg12: memref<1x64xf32, #tpu.memory_space<vmem>>, %arg13: memref<1x64xf32, #tpu.memory_space<vmem>>, %arg14: memref<1x1xf32, #tpu.memory_space<vmem>>) attributes {dimension_semantics = [], scalar_prefetch = 0 : i64, scratch_operands = 0 : i64, tpu.core_type = #tpu.core_type<tc>} {
    %get3A = arith.constant 0 : index
    %get3A_0 = arith.constant 0 : index
    %get3A_1 = vector.load %arg0[%get3A, %get3A_0] : memref<32x512xi32, #tpu.memory_space<vmem>>, vector<32x512xi32>
    %reduce_sum3A = arith.constant dense<0> : vector<512xi32>
    %reduce_sum3A_2 = vector.multi_reduction <add>, %get3A_1, %reduce_sum3A [0] : vector<32x512xi32> to vector<512xi32>
    %broadcast_in_dim3A = vector.shape_cast %reduce_sum3A_2 : vector<512xi32> to vector<1x512xi32>
    %iota3A = tpu.iota {dimensions = array<i32: 1>} : vector<1x512xi32>
    %get3A_3 = arith.constant 0 : index
    %get3A_4 = arith.constant 0 : index
    %get3A_5 = vector.load %arg1[%get3A_3, %get3A_4] : memref<1x512xf32, #tpu.memory_space<vmem>>, vector<1x512xf32>
    %gt3A = arith.constant 0 : i32
    %gt3A_6 = vector.broadcast %gt3A : i32 to vector<1x512xi32>
    %gt3A_7 = arith.cmpi sgt, %broadcast_in_dim3A, %gt3A_6 : vector<1x512xi32>
    %lt3A = arith.constant 500 : i32
    %lt3A_8 = vector.broadcast %lt3A : i32 to vector<1x512xi32>
    %lt3A_9 = arith.cmpi slt, %iota3A, %lt3A_8 : vector<1x512xi32>
    %and3A = arith.andi %gt3A_7, %lt3A_9 : vector<1x512xi1>
    %jit3A = arith.constant -1.000000e+30 : f32
    %broadcast_in_dim3A_10 = vector.broadcast %jit3A : f32 to vector<1x512xf32>
    %select_n3A = arith.select %and3A, %get3A_5, %broadcast_in_dim3A_10 : vector<1x512xi1>, vector<1x512xf32>
    %reduce_max3A = vector.shape_cast %select_n3A : vector<1x512xf32> to vector<1x1x512xf32>
    %reduce_max3A_11 = arith.constant dense<0xFF800000> : vector<1xf32>
    %reduce_max3A_12 = vector.multi_reduction <maximumf>, %reduce_max3A, %reduce_max3A_11 [1, 2] : vector<1x1x512xf32> to vector<1xf32>
    %reduce_max3A_13 = vector.shape_cast %reduce_max3A_12 : vector<1xf32> to vector<1x1x1xf32>
    %reduce_max3A_14 = vector.extract %reduce_max3A_13[0, 0, 0] : f32 from vector<1x1x1xf32>
    %eq3A = vector.broadcast %reduce_max3A_14 : f32 to vector<1x512xf32>
    %eq3A_15 = arith.cmpf oeq, %select_n3A, %eq3A : vector<1x512xf32>
    %jit3A_16 = arith.constant 512 : i32
    %broadcast_in_dim3A_17 = vector.broadcast %jit3A_16 : i32 to vector<1x512xi32>
    %select_n3A_18 = arith.select %eq3A_15, %iota3A, %broadcast_in_dim3A_17 : vector<1x512xi1>, vector<1x512xi32>
    %reduce_min3A = vector.shape_cast %select_n3A_18 : vector<1x512xi32> to vector<1x1x512xi32>
    %reduce_min3A_19 = arith.constant dense<2147483647> : vector<1xi32>
    %reduce_min3A_20 = vector.multi_reduction <minsi>, %reduce_min3A, %reduce_min3A_19 [1, 2] : vector<1x1x512xi32> to vector<1xi32>
    %reduce_min3A_21 = vector.shape_cast %reduce_min3A_20 : vector<1xi32> to vector<1x1x1xi32>
    %reduce_min3A_22 = vector.extract %reduce_min3A_21[0, 0, 0] : i32 from vector<1x1x1xi32>
    %eq3A_23 = vector.broadcast %reduce_min3A_22 : i32 to vector<1x512xi32>
    %eq3A_24 = arith.cmpi eq, %iota3A, %eq3A_23 : vector<1x512xi32>
    %jit3A_25 = arith.constant 0 : i32
    %broadcast_in_dim3A_26 = vector.broadcast %jit3A_25 : i32 to vector<1x512xi32>
    %select_n3A_27 = arith.select %eq3A_24, %broadcast_in_dim3A, %broadcast_in_dim3A_26 : vector<1x512xi1>, vector<1x512xi32>
    %reduce_sum3A_28 = vector.shape_cast %select_n3A_27 : vector<1x512xi32> to vector<1x1x512xi32>
    %reduce_sum3A_29 = arith.constant dense<0> : vector<1xi32>
    %reduce_sum3A_30 = vector.multi_reduction <add>, %reduce_sum3A_28, %reduce_sum3A_29 [1, 2] : vector<1x1x512xi32> to vector<1xi32>
    %reduce_sum3A_31 = vector.shape_cast %reduce_sum3A_30 : vector<1xi32> to vector<1x1x1xi32>
    %reduce_sum3A_32 = vector.extract %reduce_sum3A_31[0, 0, 0] : i32 from vector<1x1x1xi32>
    %eq3A_33 = vector.broadcast %reduce_min3A_22 : i32 to vector<1x512xi32>
    %eq3A_34 = arith.cmpi eq, %iota3A, %eq3A_33 : vector<1x512xi32>
    %jit3A_35 = arith.constant -3.000000e+30 : f32
    %broadcast_in_dim3A_36 = vector.broadcast %jit3A_35 : f32 to vector<1x512xf32>
    %select_n3A_37 = arith.select %eq3A_34, %broadcast_in_dim3A_36, %select_n3A : vector<1x512xi1>, vector<1x512xf32>
    %reduce_max3A_38 = vector.shape_cast %select_n3A_37 : vector<1x512xf32> to vector<1x1x512xf32>
    %reduce_max3A_39 = arith.constant dense<0xFF800000> : vector<1xf32>
    %reduce_max3A_40 = vector.multi_reduction <maximumf>, %reduce_max3A_38, %reduce_max3A_39 [1, 2] : vector<1x1x512xf32> to vector<1xf32>
    %reduce_max3A_41 = vector.shape_cast %reduce_max3A_40 : vector<1xf32> to vector<1x1x1xf32>
    %reduce_max3A_42 = vector.extract %reduce_max3A_41[0, 0, 0] : f32 from vector<1x1x1xf32>
    %eq3A_43 = vector.broadcast %reduce_max3A_42 : f32 to vector<1x512xf32>
    %eq3A_44 = arith.cmpf oeq, %select_n3A_37, %eq3A_43 : vector<1x512xf32>
    %jit3A_45 = arith.constant 512 : i32
    %broadcast_in_dim3A_46 = vector.broadcast %jit3A_45 : i32 to vector<1x512xi32>
    %select_n3A_47 = arith.select %eq3A_44, %iota3A, %broadcast_in_dim3A_46 : vector<1x512xi1>, vector<1x512xi32>
    %reduce_min3A_48 = vector.shape_cast %select_n3A_47 : vector<1x512xi32> to vector<1x1x512xi32>
    %reduce_min3A_49 = arith.constant dense<2147483647> : vector<1xi32>
    %reduce_min3A_50 = vector.multi_reduction <minsi>, %reduce_min3A_48, %reduce_min3A_49 [1, 2] : vector<1x1x512xi32> to vector<1xi32>
    %reduce_min3A_51 = vector.shape_cast %reduce_min3A_50 : vector<1xi32> to vector<1x1x1xi32>
    %reduce_min3A_52 = vector.extract %reduce_min3A_51[0, 0, 0] : i32 from vector<1x1x1xi32>
    %eq3A_53 = vector.broadcast %reduce_min3A_52 : i32 to vector<1x512xi32>
    %eq3A_54 = arith.cmpi eq, %iota3A, %eq3A_53 : vector<1x512xi32>
    %jit3A_55 = arith.constant 0 : i32
    %broadcast_in_dim3A_56 = vector.broadcast %jit3A_55 : i32 to vector<1x512xi32>
    %select_n3A_57 = arith.select %eq3A_54, %broadcast_in_dim3A, %broadcast_in_dim3A_56 : vector<1x512xi1>, vector<1x512xi32>
    %reduce_sum3A_58 = vector.shape_cast %select_n3A_57 : vector<1x512xi32> to vector<1x1x512xi32>
    %reduce_sum3A_59 = arith.constant dense<0> : vector<1xi32>
    %reduce_sum3A_60 = vector.multi_reduction <add>, %reduce_sum3A_58, %reduce_sum3A_59 [1, 2] : vector<1x1x512xi32> to vector<1xi32>
    %reduce_sum3A_61 = vector.shape_cast %reduce_sum3A_60 : vector<1xi32> to vector<1x1x1xi32>
    %reduce_sum3A_62 = vector.extract %reduce_sum3A_61[0, 0, 0] : i32 from vector<1x1x1xi32>
    %eq3A_63 = vector.broadcast %reduce_min3A_52 : i32 to vector<1x512xi32>
    %eq3A_64 = arith.cmpi eq, %iota3A, %eq3A_63 : vector<1x512xi32>
    %jit3A_65 = arith.constant -3.000000e+30 : f32
    %broadcast_in_dim3A_66 = vector.broadcast %jit3A_65 : f32 to vector<1x512xf32>
    %select_n3A_67 = arith.select %eq3A_64, %broadcast_in_dim3A_66, %select_n3A_37 : vector<1x512xi1>, vector<1x512xf32>
    %reduce_max3A_68 = vector.shape_cast %select_n3A_67 : vector<1x512xf32> to vector<1x1x512xf32>
    %reduce_max3A_69 = arith.constant dense<0xFF800000> : vector<1xf32>
    %reduce_max3A_70 = vector.multi_reduction <maximumf>, %reduce_max3A_68, %reduce_max3A_69 [1, 2] : vector<1x1x512xf32> to vector<1xf32>
    %reduce_max3A_71 = vector.shape_cast %reduce_max3A_70 : vector<1xf32> to vector<1x1x1xf32>
    %reduce_max3A_72 = vector.extract %reduce_max3A_71[0, 0, 0] : f32 from vector<1x1x1xf32>
    %eq3A_73 = vector.broadcast %reduce_max3A_72 : f32 to vector<1x512xf32>
    %eq3A_74 = arith.cmpf oeq, %select_n3A_67, %eq3A_73 : vector<1x512xf32>
    %jit3A_75 = arith.constant 512 : i32
    %broadcast_in_dim3A_76 = vector.broadcast %jit3A_75 : i32 to vector<1x512xi32>
    %select_n3A_77 = arith.select %eq3A_74, %iota3A, %broadcast_in_dim3A_76 : vector<1x512xi1>, vector<1x512xi32>
    %reduce_min3A_78 = vector.shape_cast %select_n3A_77 : vector<1x512xi32> to vector<1x1x512xi32>
    %reduce_min3A_79 = arith.constant dense<2147483647> : vector<1xi32>
    %reduce_min3A_80 = vector.multi_reduction <minsi>, %reduce_min3A_78, %reduce_min3A_79 [1, 2] : vector<1x1x512xi32> to vector<1xi32>
    %reduce_min3A_81 = vector.shape_cast %reduce_min3A_80 : vector<1xi32> to vector<1x1x1xi32>
    %reduce_min3A_82 = vector.extract %reduce_min3A_81[0, 0, 0] : i32 from vector<1x1x1xi32>
    %eq3A_83 = vector.broadcast %reduce_min3A_82 : i32 to vector<1x512xi32>
    %eq3A_84 = arith.cmpi eq, %iota3A, %eq3A_83 : vector<1x512xi32>
    %jit3A_85 = arith.constant 0 : i32
    %broadcast_in_dim3A_86 = vector.broadcast %jit3A_85 : i32 to vector<1x512xi32>
    %select_n3A_87 = arith.select %eq3A_84, %broadcast_in_dim3A, %broadcast_in_dim3A_86 : vector<1x512xi1>, vector<1x512xi32>
    %reduce_sum3A_88 = vector.shape_cast %select_n3A_87 : vector<1x512xi32> to vector<1x1x512xi32>
    %reduce_sum3A_89 = arith.constant dense<0> : vector<1xi32>
    %reduce_sum3A_90 = vector.multi_reduction <add>, %reduce_sum3A_88, %reduce_sum3A_89 [1, 2] : vector<1x1x512xi32> to vector<1xi32>
    %reduce_sum3A_91 = vector.shape_cast %reduce_sum3A_90 : vector<1xi32> to vector<1x1x1xi32>
    %reduce_sum3A_92 = vector.extract %reduce_sum3A_91[0, 0, 0] : i32 from vector<1x1x1xi32>
    %min3A = arith.constant 3 : i32
    %min3A_93 = arith.minsi %reduce_sum3A_32, %min3A : i32
    %sub3A = arith.constant 3 : i32
    %sub3A_94 = arith.subi %sub3A, %min3A_93 : i32
    %min3A_95 = arith.minsi %reduce_sum3A_62, %sub3A_94 : i32
    %sub3A_96 = arith.constant 3 : i32
    %sub3A_97 = arith.subi %sub3A_96, %min3A_93 : i32
    %sub3A_98 = arith.subi %sub3A_97, %min3A_95 : i32
    %min3A_99 = arith.minsi %reduce_sum3A_92, %sub3A_98 : i32
    %convert_element_type3A = arith.sitofp %min3A_93 : i32 to f32
    %mul3A = arith.mulf %reduce_max3A_14, %convert_element_type3A : f32
    %convert_element_type3A_100 = arith.sitofp %min3A_95 : i32 to f32
    %mul3A_101 = arith.mulf %reduce_max3A_42, %convert_element_type3A_100 : f32
    %add3A = arith.addf %mul3A, %mul3A_101 : f32
    %convert_element_type3A_102 = arith.sitofp %min3A_99 : i32 to f32
    %mul3A_103 = arith.mulf %reduce_max3A_72, %convert_element_type3A_102 : f32
    %add3A_104 = arith.addf %add3A, %mul3A_103 : f32
    %div3A = arith.constant 3.000000e+00 : f32
    %div3A_105 = arith.divf %add3A_104, %div3A : f32
    %gt3A_106 = arith.constant 0 : i32
    %gt3A_107 = arith.cmpi sgt, %min3A_93, %gt3A_106 : i32
    %jit3A_108 = arith.constant 1.000000e+00 : f32
    %jit3A_109 = arith.constant 0.000000e+00 : f32
    %select_n3A_110 = arith.select %gt3A_107, %jit3A_108, %jit3A_109 : f32
    %gt3A_111 = arith.constant 0 : i32
    %gt3A_112 = arith.cmpi sgt, %min3A_95, %gt3A_111 : i32
    %jit3A_113 = arith.constant 1.000000e+00 : f32
    %jit3A_114 = arith.constant 0.000000e+00 : f32
    %select_n3A_115 = arith.select %gt3A_112, %jit3A_113, %jit3A_114 : f32
    %gt3A_116 = arith.constant 0 : i32
    %gt3A_117 = arith.cmpi sgt, %min3A_99, %gt3A_116 : i32
    %jit3A_118 = arith.constant 1.000000e+00 : f32
    %jit3A_119 = arith.constant 0.000000e+00 : f32
    %select_n3A_120 = arith.select %gt3A_117, %jit3A_118, %jit3A_119 : f32
    %add3A_121 = arith.addf %select_n3A_110, %select_n3A_115 : f32
    %add3A_122 = arith.addf %add3A_121, %select_n3A_120 : f32
    %min3A_123 = arith.constant 499 : i32
    %min3A_124 = arith.minsi %reduce_min3A_22, %min3A_123 : i32
    %get3A_125 = arith.index_cast %min3A_124 : i32 to index
    %get3A_126 = arith.constant 0 : index
    %get3A_127 = vector.load %arg4[%get3A_125, %get3A_126] : memref<500x64xf32, #tpu.memory_space<vmem>>, vector<1x64xf32>
    %min3A_128 = arith.constant 499 : i32
    %min3A_129 = arith.minsi %reduce_min3A_52, %min3A_128 : i32
    %get3A_130 = arith.index_cast %min3A_129 : i32 to index
    %get3A_131 = arith.constant 0 : index
    %get3A_132 = vector.load %arg4[%get3A_130, %get3A_131] : memref<500x64xf32, #tpu.memory_space<vmem>>, vector<1x64xf32>
    %min3A_133 = arith.constant 499 : i32
    %min3A_134 = arith.minsi %reduce_min3A_82, %min3A_133 : i32
    %get3A_135 = arith.index_cast %min3A_134 : i32 to index
    %get3A_136 = arith.constant 0 : index
    %get3A_137 = vector.load %arg4[%get3A_135, %get3A_136] : memref<500x64xf32, #tpu.memory_space<vmem>>, vector<1x64xf32>
    %concatenate3A = tpu.concatenate %get3A_127, %get3A_132, %get3A_137 in 0 : vector<1x64xf32>, vector<1x64xf32>, vector<1x64xf32> -> vector<3x64xf32>
    %get3A_138 = arith.constant 0 : index
    %get3A_139 = arith.constant 0 : index
    %get3A_140 = vector.load %arg5[%get3A_138, %get3A_139] : memref<64x64xf32, #tpu.memory_space<vmem>>, vector<64x64xf32>
    %dot_general3A = arith.constant dense<0.000000e+00> : vector<3x64xf32>
    %dot_general3A_141 = tpu.matmul %concatenate3A, %get3A_140, %dot_general3A {dimension_numbers = #tpu.dot_dimension_numbers<[1], [1], [0], [0], [0, 0, 1, 0], [], []>, precision = #tpu.contract_precision<fp32>, transpose_lhs_hint = false} : vector<3x64xf32>, vector<64x64xf32>, vector<3x64xf32> -> vector<3x64xf32>
    %get3A_142 = arith.constant 0 : index
    %get3A_143 = arith.constant 0 : index
    %get3A_144 = vector.load %arg6[%get3A_142, %get3A_143] : memref<1x64xf32, #tpu.memory_space<vmem>>, vector<1x64xf32>
    %add3A_145 = vector.broadcast %get3A_144 : vector<1x64xf32> to vector<3x64xf32>
    %add3A_146 = arith.addf %dot_general3A_141, %add3A_145 : vector<3x64xf32>
    %max3A = arith.constant 0.000000e+00 : f32
    %max3A_147 = vector.broadcast %max3A : f32 to vector<3x64xf32>
    %max3A_148 = arith.maximumf %add3A_146, %max3A_147 : vector<3x64xf32>
    %get3A_149 = arith.constant 0 : index
    %get3A_150 = arith.constant 0 : index
    %get3A_151 = vector.load %arg7[%get3A_149, %get3A_150] : memref<64x64xf32, #tpu.memory_space<vmem>>, vector<64x64xf32>
    %dot_general3A_152 = arith.constant dense<0.000000e+00> : vector<3x64xf32>
    %dot_general3A_153 = tpu.matmul %max3A_148, %get3A_151, %dot_general3A_152 {dimension_numbers = #tpu.dot_dimension_numbers<[1], [1], [0], [0], [0, 0, 1, 0], [], []>, precision = #tpu.contract_precision<fp32>, transpose_lhs_hint = false} : vector<3x64xf32>, vector<64x64xf32>, vector<3x64xf32> -> vector<3x64xf32>
    %get3A_154 = arith.constant 0 : index
    %get3A_155 = arith.constant 0 : index
    %get3A_156 = vector.load %arg8[%get3A_154, %get3A_155] : memref<1x64xf32, #tpu.memory_space<vmem>>, vector<1x64xf32>
    %add3A_157 = vector.broadcast %get3A_156 : vector<1x64xf32> to vector<3x64xf32>
    %add3A_158 = arith.addf %dot_general3A_153, %add3A_157 : vector<3x64xf32>
    %broadcast_in_dim3A_159 = vector.broadcast %select_n3A_110 : f32 to vector<1x1xf32>
    %broadcast_in_dim3A_160 = vector.broadcast %select_n3A_115 : f32 to vector<1x1xf32>
    %broadcast_in_dim3A_161 = vector.broadcast %select_n3A_120 : f32 to vector<1x1xf32>
    %concatenate3A_162 = tpu.concatenate %broadcast_in_dim3A_159, %broadcast_in_dim3A_160, %broadcast_in_dim3A_161 in 0 : vector<1x1xf32>, vector<1x1xf32>, vector<1x1xf32> -> vector<3x1xf32>
    %mul3A_163 = vector.broadcast %concatenate3A_162 : vector<3x1xf32> to vector<3x64xf32>
    %mul3A_164 = arith.mulf %add3A_158, %mul3A_163 : vector<3x64xf32>
    %reduce_sum3A_165 = arith.constant dense<0.000000e+00> : vector<64xf32>
    %reduce_sum3A_166 = vector.multi_reduction <add>, %mul3A_164, %reduce_sum3A_165 [0] : vector<3x64xf32> to vector<64xf32>
    %broadcast_in_dim3A_167 = vector.shape_cast %reduce_sum3A_166 : vector<64xf32> to vector<1x64xf32>
    %div3A_168 = vector.broadcast %add3A_122 : f32 to vector<1x64xf32>
    %div3A_169 = arith.divf %broadcast_in_dim3A_167, %div3A_168 : vector<1x64xf32>
    %get3A_170 = arith.constant 0 : index
    %get3A_171 = arith.constant 0 : index
    %get3A_172 = vector.load %arg2[%get3A_170, %get3A_171] : memref<1x64xf32, #tpu.memory_space<vmem>>, vector<1x64xf32>
    %get3A_173 = arith.constant 0 : index
    %get3A_174 = arith.constant 0 : index
    %get3A_175 = vector.load %arg3[%get3A_173, %get3A_174] : memref<1x1xf32, #tpu.memory_space<vmem>>, vector<1x1xf32>
    %reduce_sum3A_176 = vector.shape_cast %get3A_175 : vector<1x1xf32> to vector<1x1x1xf32>
    %reduce_sum3A_177 = arith.constant dense<0.000000e+00> : vector<1xf32>
    %reduce_sum3A_178 = vector.multi_reduction <add>, %reduce_sum3A_176, %reduce_sum3A_177 [1, 2] : vector<1x1x1xf32> to vector<1xf32>
    %reduce_sum3A_179 = vector.shape_cast %reduce_sum3A_178 : vector<1xf32> to vector<1x1x1xf32>
    %reduce_sum3A_180 = vector.extract %reduce_sum3A_179[0, 0, 0] : f32 from vector<1x1x1xf32>
    %mul3A_181 = arith.mulf %reduce_sum3A_180, %div3A_105 : f32
    %concatenate3A_182 = tpu.concatenate %get3A_172, %div3A_169 in 1 : vector<1x64xf32>, vector<1x64xf32> -> vector<1x128xf32>
    %get3A_183 = arith.constant 0 : index
    %get3A_184 = arith.constant 0 : index
    %get3A_185 = vector.load %arg9[%get3A_183, %get3A_184] : memref<64x128xf32, #tpu.memory_space<vmem>>, vector<64x128xf32>
    %dot_general3A_186 = arith.constant dense<0.000000e+00> : vector<1x64xf32>
    %dot_general3A_187 = tpu.matmul %concatenate3A_182, %get3A_185, %dot_general3A_186 {dimension_numbers = #tpu.dot_dimension_numbers<[1], [1], [0], [0], [0, 0, 1, 0], [], []>, precision = #tpu.contract_precision<fp32>, transpose_lhs_hint = false} : vector<1x128xf32>, vector<64x128xf32>, vector<1x64xf32> -> vector<1x64xf32>
    %get3A_188 = arith.constant 0 : index
    %get3A_189 = arith.constant 0 : index
    %get3A_190 = vector.load %arg10[%get3A_188, %get3A_189] : memref<1x64xf32, #tpu.memory_space<vmem>>, vector<1x64xf32>
    %add3A_191 = arith.addf %dot_general3A_187, %get3A_190 : vector<1x64xf32>
    %max3A_192 = arith.constant 0.000000e+00 : f32
    %max3A_193 = vector.broadcast %max3A_192 : f32 to vector<1x64xf32>
    %max3A_194 = arith.maximumf %add3A_191, %max3A_193 : vector<1x64xf32>
    %get3A_195 = arith.constant 0 : index
    %get3A_196 = arith.constant 0 : index
    %get3A_197 = vector.load %arg11[%get3A_195, %get3A_196] : memref<64x64xf32, #tpu.memory_space<vmem>>, vector<64x64xf32>
    %dot_general3A_198 = arith.constant dense<0.000000e+00> : vector<1x64xf32>
    %dot_general3A_199 = tpu.matmul %max3A_194, %get3A_197, %dot_general3A_198 {dimension_numbers = #tpu.dot_dimension_numbers<[1], [1], [0], [0], [0, 0, 1, 0], [], []>, precision = #tpu.contract_precision<fp32>, transpose_lhs_hint = false} : vector<1x64xf32>, vector<64x64xf32>, vector<1x64xf32> -> vector<1x64xf32>
    %get3A_200 = arith.constant 0 : index
    %get3A_201 = arith.constant 0 : index
    %get3A_202 = vector.load %arg12[%get3A_200, %get3A_201] : memref<1x64xf32, #tpu.memory_space<vmem>>, vector<1x64xf32>
    %add3A_203 = arith.addf %dot_general3A_199, %get3A_202 : vector<1x64xf32>
    %mul3A_204 = vector.broadcast %mul3A_181 : f32 to vector<1x64xf32>
    %mul3A_205 = arith.mulf %mul3A_204, %add3A_203 : vector<1x64xf32>
    %add3A_206 = arith.addf %get3A_172, %mul3A_205 : vector<1x64xf32>
    %swap3A = arith.constant 0 : index
    %swap3A_207 = arith.constant 0 : index
    %swap3A_208 = vector.load %arg13[%swap3A, %swap3A_207] : memref<1x64xf32, #tpu.memory_space<vmem>>, vector<1x64xf32>
    tpu.vector_store %arg13[%swap3A, %swap3A_207], %add3A_206 {strides = array<i32>} : memref<1x64xf32, #tpu.memory_space<vmem>>, vector<1x64xf32>,
    %broadcast_in_dim3A_209 = vector.broadcast %mul3A_181 : f32 to vector<1x1xf32>
    %swap3A_210 = arith.constant 0 : index
    %swap3A_211 = arith.constant 0 : index
    %swap3A_212 = vector.load %arg14[%swap3A_210, %swap3A_211] : memref<1x1xf32, #tpu.memory_space<vmem>>, vector<1x1xf32>
    tpu.vector_store %arg14[%swap3A_210, %swap3A_211], %broadcast_in_dim3A_209 {strides = array<i32>} : memref<1x1xf32, #tpu.memory_space<vmem>>, vector<1x1xf32>,
    return
  }
}

</mosaic_0001>

<sc_bundles>
// kernel: kernel.5.cloned.1.call-start
scs
__scs_entry_jumppad:
0x0: {  	(pc) =	sbr.rel $0x88, $3  }
0x1: {  	(tag) =	ssettag $0x0;
	lr =	simm.s32 $0x1  }
0x2: {  	[smem:$0x3F91] =	sst lr;
	_ =	strace $0xD0000000  }
0x3: {  	_ = 	snop  }
0x4: {  	_ = 	snop  }
0x5: {  	_ = 	snop  }
0x6: {  	_ = 	snop  }
0x7: {  	_ = 	snop  }
__scs_overlays_trampoline_lowered:
0x8: {  	[smem:$0x3FA0] =	sst s0  }
0x9: {  	[smem:$0x3FA1] =	sst s1  }
0xa: {  	[smem:$0x3FA2] =	sst s2  }
0xb: {  	[smem:$0x3FA3] =	sst s3  }
0xc: {  	[smem:$0x3FA4] =	sst s4  }
0xd: {  	[smem:$0x3FA5] =	sst s5  }
0xe: {  	[smem:$0x3FA6] =	sst s6  }
0xf: {  	[smem:$0x3FA7] =	sst s7  }
0x10: {  	[smem:$0x3FA8] =	sst s8  }
0x11: {  	[smem:$0x3FA9] =	sst s9;
	s0 =	simm.s32 @!p0 $0x0  }
0x12: {  	s1 =	sld [smem:$0x3F8F];
	s0 =	simm.s32 @p0 $0x1  }
0x13: {  	[smem:$0x3FAA] =	sst s0;
	s0 =	simm.s32 @!p1 $0x0  }
0x14: {  	s2 =	sld [smem:$0x3F8E];
	s0 =	simm.s32 @p1 $0x1  }
0x15: {  	[smem:$0x3FAB] =	sst s0;
	s0 =	simm.s32 @!p2 $0x0  }
0x16: {  	s3 =	sld [smem:$0x3FDB];
	s0 =	simm.s32 @p2 $0x1  }
0x17: {  	s4 =	simm.s32 $0x1BF5;
	[smem:$0x3FAD] =	sst s0  }
0x18: {  	s0 =	sld [smem:$0x3F90];
	_ =	swait.ge [sflag:s4], $0x0  }
0x19: {  	s7 =	sld [smem:$0x3F91]  }
0x1a: {  	s8 =	sadd.s32 $0xFFFFE003, lr  }
0x1b: {  	s9 =	sadd.s32 $0xFFFFFEF7, lr;
	s5 =	simm.s32 $0xFFFFFFFF;
	p2 =	slt.u32 s8, $0xFFFFF086  }
0x1c: {  	p1 =	slt.u32 s9, $0xF7A;
	s5 =	simm.s32 @!p2 $0x0  }
0x1d: {  	s5 =	simm.s32 @p1 $0x1;
	p0 =	seq.s32 s7, s2  }
0x1e: {  	s7 =	smul.u32 @!p0 $0xF7A, s2;
	p2 =	seq.s32 @!p0 s5, $0x0  }
0x1f: {  	s9 =	smul.u32 $0xF7A, s1;
	s8 =	simm.s32 @!p0 $0x1BF5;
	p2 =	por !p2, p0  }
0x20: {  	[sflag:s8] =	ssyncset.s32 @!p0 $0xFFFFF086;
	s6 =	sadd.s32 @!p0 s3, s7;
	s7 =	simm.s32 @!p0 $0x108  }
0x21: {  	s3 =	sadd.s32 s3, s9;
	s6 =	sadd.s32 @!p0 $0x88, s6;
	s7 =	simm.s32 @p2 $0x1082  }
0x22: {  	[simem:s7], [sflag:s8] =	dma.local @!p0 [hbm:s6], $0xF7A  }
0x23: {  	s9 =	sor.u32 $0xD0000000, s2;
	s6 =	simm.s32 $0x108;
	_ =	swait.ge @!p0 [sflag:s8], $0x0  }
0x24: {  	s3 =	sadd.s32 $0x88, s3;
	s6 =	simm.s32 @!p1 $0x1082;
	[sflag:s4] =	ssyncset.s32 $0xFFFFF086  }
0x25: {  	[simem:s6], [sflag:s4] =	dma.local [hbm:s3], $0xF7A  }
0x26: {  	[smem:$0x3F91] =	sst s1;
	(tag) =	ssettag s2;
	_ =	strace s9  }
0x27: {  	s1 =	sld [smem:$0x3FA1]  }
0x28: {  	s2 =	sld [smem:$0x3FA2]  }
0x29: {  	s4 =	sld [smem:$0x3FA4]  }
0x2a: {  	p0 =	seq.s32 s5, $0x0;
	s5 =	sld [smem:$0x3FA5]  }
0x2b: {  	s6 =	sld [smem:$0x3FA6]  }
0x2c: {  	s7 =	sld [smem:$0x3FA7]  }
0x2d: {  	s3 =	simm.s32 $0x108;
	s8 =	sld [smem:$0x3FA8]  }
0x2e: {  	s3 =	simm.s32 @!p0 $0x1082;
	s9 =	sld [smem:$0x3FA9]  }
0x2f: {  	lr =	sadd.s32 s0, s3;
	s0 =	sld [smem:$0x3FA0]  }
0x30: {  	s3 =	sld [smem:$0x3FA3]  }
0x31: {  	[smem:$0x3FAC] =	sst s10  }
0x32: {  	s10 =	sld [smem:$0x3FAA];
	_ =	sdelay $0x3  }
0x33: {  	p0 =	seq.s32 s10, $0x1;
	s10 =	sld [smem:$0x3FAC];
	_ =	sdelay $0x3  }
0x34: {  	[smem:$0x3FAC] =	sst s10  }
0x35: {  	s10 =	sld [smem:$0x3FAB];
	_ =	sdelay $0x3  }
0x36: {  	p1 =	seq.s32 s10, $0x1;
	s10 =	sld [smem:$0x3FAC];
	_ =	sdelay $0x3  }
0x37: {  	[smem:$0x3FAC] =	sst s10  }
0x38: {  	s10 =	sld [smem:$0x3FAD]  }
0x39: {  	_ = 	snop;
	(pc) =	sbr.ind lr, $3  }
0x3a: {  	_ = 	snop  }
0x3b: {  	_ = 	snop  }
0x3c: {  	p2 =	seq.s32 s10, $0x1;
	s10 =	sld [smem:$0x3FAC]  }
0x3d: {  	_ =	shalt  }
0x3e: {  	_ =	shalt  }
0x3f: {  	_ =	shalt  }
0x40: {  	_ =	shalt  }
0x41: {  	_ =	shalt  }
0x42: {  	_ =	shalt  }
0x43: {  	_ =	shalt  }
0x44: {  	_ =	shalt  }
0x45: {  	_ =	shalt  }
0x46: {  	_ =	shalt  }
0x47: {  	_ =	shalt  }
0x48: {  	_ =	shalt  }
0x49: {  	_ =	shalt  }
0x4a: {  	_ =	shalt  }
0x4b: {  	_ =	shalt  }
0x4c: {  	_ =	shalt  }
0x4d: {  	_ =	shalt  }
0x4e: {  	_ =	shalt  }
0x4f: {  	_ =	shalt  }
0x50: {  	_ =	shalt  }
0x51: {  	_ =	shalt  }
0x52: {  	_ =	shalt  }
0x53: {  	_ =	shalt  }
0x54: {  	_ =	shalt  }
0x55: {  	_ =	shalt  }
0x56: {  	_ =	shalt  }
0x57: {  	_ =	shalt  }
0x58: {  	_ =	shalt  }
0x59: {  	_ =	shalt  }
0x5a: {  	_ =	shalt  }
0x5b: {  	_ =	shalt  }
0x5c: {  	_ =	shalt  }
0x5d: {  	_ =	shalt  }
0x5e: {  	_ =	shalt  }
0x5f: {  	_ =	shalt  }
0x60: {  	_ =	shalt  }
0x61: {  	_ =	shalt  }
0x62: {  	_ =	shalt  }
0x63: {  	_ =	shalt  }
0x64: {  	_ =	shalt  }
0x65: {  	_ =	shalt  }
0x66: {  	_ =	shalt  }
0x67: {  	_ =	shalt  }
0x68: {  	_ =	shalt  }
0x69: {  	_ =	shalt  }
0x6a: {  	_ =	shalt  }
0x6b: {  	_ =	shalt  }
0x6c: {  	_ =	shalt  }
0x6d: {  	_ =	shalt  }
0x6e: {  	_ =	shalt  }
0x6f: {  	_ =	shalt  }
0x70: {  	_ =	shalt  }
0x71: {  	_ =	shalt  }
0x72: {  	_ =	shalt  }
0x73: {  	_ =	shalt  }
0x74: {  	_ =	shalt  }
0x75: {  	_ =	shalt  }
0x76: {  	_ =	shalt  }
0x77: {  	_ =	shalt  }
0x78: {  	_ =	shalt  }
0x79: {  	_ =	shalt  }
0x7a: {  	_ =	shalt  }
0x7b: {  	_ =	shalt  }
0x7c: {  	_ =	shalt  }
0x7d: {  	_ =	shalt  }
0x7e: {  	_ =	shalt  }
0x7f: {  	_ =	shalt  }
0x80: {  	_ =	shalt  }
0x81: {  	_ =	shalt  }
0x82: {  	_ =	shalt  }
0x83: {  	_ =	shalt  }
0x84: {  	_ =	shalt  }
0x85: {  	_ =	shalt  }
0x86: {  	_ =	shalt  }
0x87: {  	_ =	shalt  }
.Lfunc_end0:
.L_simem_size_0:
called_computation_lowered:
.L_overlay_start_0:
0x88: {  	s2 =	sld [smem:$0x3FD9]  }
0x89: {  	s3 =	sld [smem:$0x3FFE];
	_ =	sdelay $0x1  }
0x8a: {  	s1 =	srdreg.scid  }
0x8b: {  	s0 =	sand.u32 $0x1, s1  }
0x8c: {  	s17 =	sshll.u32 s0, $0xA;
	s2 =	sadd.s32 s3, s2  }
0x8d: {  	s2 =	sadd.s32 s2, s17  }
0x8e: {  	[smem:$0x3FB8] =	sst s2  }
0x8f: {  	_ = 	snop  }
0x90: {  	s2 =	sld [smem:$0x3FC9];
	(tm) =	ssettm $0x1  }
0x91: {  	s18 =	sld [smem:$0x3FFB];
	_ =	sdelay $0x3  }
0x92: {  	_ =	strace s18  }
0x93: {  	s3 =	sld [smem:$0x3FFC];
	_ =	sdelay $0x3  }
0x94: {  	_ =	strace s3  }
0x95: {  	s3 =	sld [smem:$0x3FFD];
	_ =	sdelay $0x3  }
0x96: {  	_ =	strace s3  }
0x97: {  	_ =	strace $0x8FFFFFFF  }
0x98: {  	s19 =	sld [smem:$0x3FDB];
	_ =	sdelay $0x1  }
0x99: {  	s4 =	simm.s32 $_scs_section_size  }
0x9a: {  	s5 =	simm.s32 $_size__tile_overlayer_lowered;
	s6 =	simm.s32 $_tile_overlayer_lowered  }
0x9b: {  	s22 =	simm.s32 $0x1BFF;
	s21 =	sshll.u32 s6, $0x1;
	s3 =	sadd.s32 s4, s19  }
0x9c: {  	s7 =	simm.s32 $0x0;
	s20 =	sshll.u32 s5, $0x1;
	s5 =	sadd.s32 s21, s3  }
0x9d: {  	[timem:s7], [sflag:s22] =	dma.local [hbm:s5], s20  }
0x9e: {  	_ =	swait.ge [sflag:s22], s20  }
0x9f: {  	s4 =	ssub.s32 $0x0, s20;
	[sflag:s22] =	ssyncset.done $0x0  }
0xa0: {  	[sflag:s22] =	ssyncadd.s32 s4;
	_ =	sdelay $0x1  }
0xa1: {  	s23 =	simm.s32 $0x1B8B  }
0xa2: {  	_ =	swait.ge [sflag:s23], $0x1  }
0xa3: {  	[sflag:s23] =	ssyncset.done $0x0  }
0xa4: {  	s25 =	simm.s32 $0x1B8E;
	s24 =	sld [smem:$0x3FFE];
	[sflag:s23] =	ssyncadd.s32 $0xFFFFFFFF  }
0xa5: {  	s26 =	simm.s32 $execute0_lowered;
	[smem:$0x3FD2] =	sst s25  }
0xa6: {  	s5 =	sshll.u32 s26, $0x1;
	_ =	strace $0x80000046;
	[dreg:$0x1] =	wrdreg $0xFFFFFFFF  }
0xa7: {  	s28 =	simm.s32 $_size_execute0_lowered;
	s3 =	sadd.s32 s3, s5;
	[dreg:$0x0] =	wrdreg $0x0  }
0xa8: {  	s5 =	sshll.u32 s28, $0x1;
	[dreg:$0x2] =	wrdreg s3  }
0xa9: {  	[dreg:$0x3] =	wrdreg s5  }
0xaa: {  	[dreg:$0x4] =	wrdreg $0xC0  }
0xab: {  	_ =	task [dreg:s7], $0x5FFFF  }
0xac: {  	[dreg:$0x1] =	wrdreg $0xFFFFFFFF  }
0xad: {  	[dreg:$0x0] =	wrdreg $0x60  }
0xae: {  	[dreg:$0x2] =	wrdreg s2  }
0xaf: {  	[dreg:$0x3] =	wrdreg s24  }
0xb0: {  	[dreg:$0x4] =	wrdreg $0x9  }
0xb1: {  	_ =	task.clear_ibuf [dreg:s7], $0x5FFFF;
	_ =	strace $0x90000046  }
0xb2: {  	s29 =	simm.s32 $0x9;
	_ =	strace $0x80000048  }
0xb3: {  	_ =	swait.ge [sflag:s29], $0x1  }
0xb4: {  	[sflag:s29] =	ssyncadd.s32 $0xFFFFFFFF  }
0xb5: {  	_ =	strace $0x90000048  }
0xb6: {  	_ =	sfence  }
0xb7: {  	s30 =	sld [smem:$0x0];
	_ =	sdelay $0x2  }
0xb8: {  	s31 =	sshll.u32 s1, $0xD;
	s1 =	sshrl.u32 s1, $0x2  }
0xb9: {  	s3 =	sand.u32 $0x4000, s31;
	s1 =	sadd.s32 s1, s30  }
0xba: {  	s0 =	sor.u32 s3, s0;
	s1 =	sshll.u32 s1, $0x11  }
0xbb: {  	s0 =	sor.u32 s1, s0  }
0xbc: {  	s0 =	sadd.s32 $0x8F2B, s0  }
0xbd: {  	[sflag:s0] =	ssyncadd.remote.s32 $0x1  }
0xbe: {  	_ =	sfence.sel $0xFFFF  }
0xbf: {  	[dreg:$0x0] =	wrdreg $0xFFFFFFFF;
	(pc) =	sbr.abs _section_cstart, $3  }
0xc0: {  	[dreg:$0x1] =	wrdreg $0xFFFFFFFF  }
0xc1: {  	_ =	task.clear_ibuf [dreg:s7], $0x2FFFF;
	_ =	strace $0x9FFFFFFF  }
0xc2: {  	(tm) =	ssettm $0x7FFFFFFF  }
0xc3: {  	_ =	shalt  }
tec
execute0_lowered:
.L_overlay_start_1:
0x0: {  	(tag) =	ssettag $0x1  }
0x1: {  	s3 =	rddreg [dreg:$0x0]  }
0x2: {  	s4 =	rddreg [dreg:$0x1]  }
0x3: {  	s0 =	rddreg [dreg:$0x2]  }
0x4: {  	s1 =	stileid.u32;
	s5 =	srdreg.scid  }
0x5: {  	s2 =	simm.s32 $0x0;
	s9 =	simm.s32 $0x6200;
	s10 =	simm.s32 $0x2  }
0x6: {  	s11 =	simm.s32 $0x80;
	s12 =	simm.s32 $0x400;
	s13 =	simm.s32 $0x8200  }
0x7: {  	s14 =	simm.s32 $0x3;
	s15 =	simm.s32 $0x0;
	s5 =	sand.u32 $0x1, s5  }
0x8: {  	s6 =	sshll.u32 s1, $0x1;
	[smem:$0x7FF] =	sst s2;
	s7 =	sshll.u32 s1, $0x7  }
0x9: {  	s6 =	sor.u32 s5, s6;
	_ =	strace $0x80000047;
	s7 =	sand.u32 $0x600, s7  }
0xa: {  	s5 =	ssub.s32 $0x2, s5;
	s8 =	smul.u32 $0x61A8, s6;
	s6 =	sshll.u32 s6, $0x4  }
0xb: {  	s4 =	sadd.s32 s7, s4;
	s30 =	sshrl.u32 s5, $0x1;
	s6 =	sand.u32 $0x70, s6  }
0xc: {  	s7 =	ssub.s32 s5, s30;
	s8 =	sshrl.u32 s8, $0x3;
	s31 =	sadd.s32 s6, s4  }
0xd: {  	v1 =	vlaneseq.u32;
	s6 =	smax.u32 s7, $0x1;
	s7 =	simm.s32 $0x3000;
	s3 =	sadd.s32 s3, s8  }
0xe: {  	v0 =	vimm.s32 $0x0;
	v2 =	vimm.s32 $0x1;
	v1 =	vmul.u32 $0x200, v1;
	s5 =	sadd.s32 $0x2400, s31;
	s8 =	simm.s32 $0x1;
	s4 =	sadd.s32 $0x600, s3  }
.LBB2_1:
0xf: {  	[tilespmem:s2], [sflag:$0x1] =	stream.linear.gather [hbm4b:s3+s2], $0x3000, $0x38;
	[tilespmem:$0x8400] =	vst v63  }
0x10: {  	s16 =	simm.s32 $0x40;
	s17 =	simm.s32 $0x0  }
0x11: {  	[tilespmem:s7], [sflag:$0x2] =	stream.linear.gather [hbm4b:s4+s2], $0x31A8, $0x38;
	[tilespmem:$0x8400] =	vst v63  }
.LBB2_2:
0x12: {  	p0 =	sne.s32 s16, $0x7FC0;
	[tilespmem:s17+$0x6200] =	vst v0;
	s17 =	smov.u32 s16;
	s16 =	sadd.s32 $0x40, s16  }
.Ltmp0:
0x13: {  	(pc) =	sbr.rel @p0 .LBB2_2-.Ltmp0, $2  }
0x14: {  	_ =	sdelay $0x2  }
0x15: {  	s17 =	sshra.s32 s17, $0x2  }
0x16: {  	[tilespmem:s17+$0x6200] =	vst v0  }
0x17: {  	_ =	swait.ge [sflag:s8], $0x3000  }
0x18: {  	[sflag:s8] =	ssyncset.done $0x0  }
0x19: {  	s16 =	simm.s32 $0x0;
	[sflag:s8] =	ssyncadd.s32 $0xFFFFD000  }
0x1a: {  	v3 =	vld [tilespmem:s16+$0x60]  }
0x1b: {  	v4 =	vld [tilespmem:s16+$0x50]  }
0x1c: {  	v5 =	vld [tilespmem:s16+$0x40]  }
0x1d: {  	v6 =	vld [tilespmem:s16+$0x30]  }
0x1e: {  	v7 =	vld [tilespmem:s16+$0x20]  }
0x1f: {  	v8 =	vld [tilespmem:s16+$0x10]  }
0x20: {  	v9 =	vld [tilespmem:s16+$0x0]  }
0x21: {  	v10 =	vld [tilespmem:s16+$0x70]  }
0x22: {  	v11 =	vld [tilespmem:s16+$0x80]  }
0x23: {  	v12 =	vld [tilespmem:s16+$0x90]  }
0x24: {  	v13 =	vld [tilespmem:s16+$0xA0]  }
0x25: {  	v14 =	vld [tilespmem:s16+$0xB0];
	v9 =	vadd.s32 v1, v9  }
0x26: {  	v15 =	vld [tilespmem:s16+$0xC0];
	v8 =	vadd.s32 v1, v8  }
0x27: {  	v16 =	vld [tilespmem:s16+$0xD0];
	v7 =	vadd.s32 v1, v7  }
0x28: {  	v17 =	vld [tilespmem:s16+$0xE0];
	v6 =	vadd.s32 v1, v6  }
0x29: {  	v18 =	vld [tilespmem:s16+$0xF0];
	v5 =	vadd.s32 v1, v5  }
0x2a: {  	v4 =	vadd.s32 v1, v4;
	[tilespmem:v9+s9+$0x0] =	vst.idx.add.s32.msk $0xffff, v2  }
0x2b: {  	v3 =	vadd.s32 v1, v3;
	[tilespmem:v8+s9+$0x0] =	vst.idx.add.s32.msk $0xffff, v2  }
0x2c: {  	v59 =	vadd.s32 v1, v10;
	[tilespmem:v7+s9+$0x0] =	vst.idx.add.s32.msk $0xffff, v2  }
0x2d: {  	v60 =	vadd.s32 v1, v11;
	[tilespmem:v6+s9+$0x0] =	vst.idx.add.s32.msk $0xffff, v2  }
0x2e: {  	v61 =	vadd.s32 v1, v12;
	[tilespmem:v5+s9+$0x0] =	vst.idx.add.s32.msk $0xffff, v2  }
0x2f: {  	v5 =	vadd.s32 v1, v13;
	[tilespmem:v4+s9+$0x0] =	vst.idx.add.s32.msk $0xffff, v2  }
0x30: {  	v4 =	vadd.s32 v1, v14;
	[tilespmem:v3+s9+$0x0] =	vst.idx.add.s32.msk $0xffff, v2  }
0x31: {  	v3 =	vadd.s32 v1, v15;
	[tilespmem:v59+s9+$0x0] =	vst.idx.add.s32.msk $0xffff, v2  }
0x32: {  	[tilespmem:v60+s9+$0x0] =	vst.idx.add.s32.msk $0xffff, v2  }
0x33: {  	[tilespmem:v61+s9+$0x0] =	vst.idx.add.s32.msk $0xffff, v2  }
0x34: {  	v62 =	vadd.s32 v1, v16;
	[tilespmem:v5+s9+$0x0] =	vst.idx.add.s32.msk $0xffff, v2  }
0x35: {  	v63 =	vadd.s32 v1, v17;
	[tilespmem:v4+s9+$0x0] =	vst.idx.add.s32.msk $0xffff, v2  }
0x36: {  	[tilespmem:v3+s9+$0x0] =	vst.idx.add.s32.msk $0xffff, v2;
	v3 =	vadd.s32 v1, v18;
	_ =	sdelay $0x2  }
0x37: {  	[tilespmem:v62+s9+$0x0] =	vst.idx.add.s32.msk $0xffff, v2  }
0x38: {  	s16 =	simm.s32 $0x400;
	[tilespmem:v63+s9+$0x0] =	vst.idx.add.s32.msk $0xffff, v2  }
.LBB2_4:
0x39: {  	s17 =	sshra.s32 s16, $0x2;
	p0 =	sne.s32 s16, $0xBC00;
	s16 =	sadd.s32 $0x400, s16;
	[tilespmem:v3+s9+$0x0] =	vst.idx.add.s32.msk $0xffff, v2  }
0x3a: {  	v3 =	vld [tilespmem:s17+$0x60]  }
0x3b: {  	v4 =	vld [tilespmem:s17+$0x50]  }
0x3c: {  	v5 =	vld [tilespmem:s17+$0x40]  }
0x3d: {  	v6 =	vld [tilespmem:s17+$0x30]  }
0x3e: {  	v7 =	vld [tilespmem:s17+$0x20]  }
0x3f: {  	v8 =	vld [tilespmem:s17+$0x10]  }
0x40: {  	v9 =	vld [tilespmem:s17+$0x0]  }
0x41: {  	v10 =	vld [tilespmem:s17+$0x70]  }
0x42: {  	v11 =	vld [tilespmem:s17+$0x80];
	v6 =	vadd.s32 v1, v6  }
0x43: {  	v5 =	vadd.s32 v1, v5;
	v12 =	vld [tilespmem:s17+$0x90]  }
0x44: {  	v4 =	vadd.s32 v1, v4;
	v13 =	vld [tilespmem:s17+$0xA0]  }
0x45: {  	v3 =	vadd.s32 v1, v3;
	v8 =	vadd.s32 v1, v8;
	v14 =	vld [tilespmem:s17+$0xB0];
	v9 =	vadd.s32 v1, v9  }
0x46: {  	v7 =	vadd.s32 v1, v7;
	v15 =	vld [tilespmem:s17+$0xC0];
	v10 =	vadd.s32 v1, v10  }
0x47: {  	v16 =	vld [tilespmem:s17+$0xD0];
	v11 =	vadd.s32 v1, v11  }
0x48: {  	v17 =	vld [tilespmem:s17+$0xE0];
	v12 =	vadd.s32 v1, v12  }
0x49: {  	v18 =	vld [tilespmem:s17+$0xF0]  }
0x4a: {  	[tilespmem:v9+s9+$0x0] =	vst.idx.add.s32.msk $0xffff, v2  }
0x4b: {  	v9 =	vadd.s32 v1, v13;
	[tilespmem:v8+s9+$0x0] =	vst.idx.add.s32.msk $0xffff, v2  }
0x4c: {  	v8 =	vadd.s32 v1, v14;
	[tilespmem:v7+s9+$0x0] =	vst.idx.add.s32.msk $0xffff, v2  }
0x4d: {  	[tilespmem:v6+s9+$0x0] =	vst.idx.add.s32.msk $0xffff, v2  }
0x4e: {  	[tilespmem:v5+s9+$0x0] =	vst.idx.add.s32.msk $0xffff, v2  }
0x4f: {  	v5 =	vadd.s32 v1, v15;
	[tilespmem:v4+s9+$0x0] =	vst.idx.add.s32.msk $0xffff, v2  }
0x50: {  	[tilespmem:v3+s9+$0x0] =	vst.idx.add.s32.msk $0xffff, v2  }
0x51: {  	v4 =	vadd.s32 v1, v16;
	[tilespmem:v10+s9+$0x0] =	vst.idx.add.s32.msk $0xffff, v2  }
0x52: {  	[tilespmem:v11+s9+$0x0] =	vst.idx.add.s32.msk $0xffff, v2  }
0x53: {  	v6 =	vadd.s32 v1, v17;
	[tilespmem:v12+s9+$0x0] =	vst.idx.add.s32.msk $0xffff, v2  }
.Ltmp1:
0x54: {  	v3 =	vadd.s32 v1, v18;
	[tilespmem:v9+s9+$0x0] =	vst.idx.add.s32.msk $0xffff, v2;
	(pc) =	sbr.rel @p0 .LBB2_4-.Ltmp1, $4  }
0x55: {  	[tilespmem:v8+s9+$0x0] =	vst.idx.add.s32.msk $0xffff, v2  }
0x56: {  	[tilespmem:v5+s9+$0x0] =	vst.idx.add.s32.msk $0xffff, v2  }
0x57: {  	[tilespmem:v4+s9+$0x0] =	vst.idx.add.s32.msk $0xffff, v2  }
0x58: {  	[tilespmem:v6+s9+$0x0] =	vst.idx.add.s32.msk $0xffff, v2  }
0x59: {  	_ =	sdelay $0x3  }
0x5a: {  	[tilespmem:v3+s9+$0x0] =	vst.idx.add.s32.msk $0xffff, v2  }
0x5b: {  	_ =	swait.ge [sflag:s10], $0x31A8  }
0x5c: {  	[sflag:s10] =	ssyncset.done $0x0  }
0x5d: {  	s16 =	simm.s32 $0x0;
	[sflag:s10] =	ssyncadd.s32 $0xFFFFCE58  }
0x5e: {  	v3 =	vld [tilespmem:s16+$0x3060]  }
0x5f: {  	v4 =	vld [tilespmem:s16+$0x3050]  }
0x60: {  	v5 =	vld [tilespmem:s16+$0x3040]  }
0x61: {  	v6 =	vld [tilespmem:s16+$0x3030]  }
0x62: {  	v7 =	vld [tilespmem:s16+$0x3020]  }
0x63: {  	v8 =	vld [tilespmem:s16+$0x3010]  }
0x64: {  	v9 =	vld [tilespmem:s16+$0x3000]  }
0x65: {  	v10 =	vld [tilespmem:s16+$0x3070]  }
0x66: {  	v11 =	vld [tilespmem:s16+$0x3080]  }
0x67: {  	v12 =	vld [tilespmem:s16+$0x3090]  }
0x68: {  	v13 =	vld [tilespmem:s16+$0x30A0]  }
0x69: {  	v14 =	vld [tilespmem:s16+$0x30B0];
	v9 =	vadd.s32 v1, v9  }
0x6a: {  	v15 =	vld [tilespmem:s16+$0x30C0];
	v8 =	vadd.s32 v1, v8  }
0x6b: {  	v16 =	vld [tilespmem:s16+$0x30D0];
	v7 =	vadd.s32 v1, v7  }
0x6c: {  	v17 =	vld [tilespmem:s16+$0x30E0];
	v6 =	vadd.s32 v1, v6  }
0x6d: {  	v18 =	vld [tilespmem:s16+$0x30F0];
	v5 =	vadd.s32 v1, v5  }
0x6e: {  	v4 =	vadd.s32 v1, v4;
	[tilespmem:v9+s9+$0x0] =	vst.idx.add.s32.msk $0xffff, v2  }
0x6f: {  	v3 =	vadd.s32 v1, v3;
	[tilespmem:v8+s9+$0x0] =	vst.idx.add.s32.msk $0xffff, v2  }
0x70: {  	v59 =	vadd.s32 v1, v10;
	[tilespmem:v7+s9+$0x0] =	vst.idx.add.s32.msk $0xffff, v2  }
0x71: {  	v60 =	vadd.s32 v1, v11;
	[tilespmem:v6+s9+$0x0] =	vst.idx.add.s32.msk $0xffff, v2  }
0x72: {  	v61 =	vadd.s32 v1, v12;
	[tilespmem:v5+s9+$0x0] =	vst.idx.add.s32.msk $0xffff, v2  }
0x73: {  	v5 =	vadd.s32 v1, v13;
	[tilespmem:v4+s9+$0x0] =	vst.idx.add.s32.msk $0xffff, v2  }
0x74: {  	v4 =	vadd.s32 v1, v14;
	[tilespmem:v3+s9+$0x0] =	vst.idx.add.s32.msk $0xffff, v2  }
0x75: {  	v3 =	vadd.s32 v1, v15;
	[tilespmem:v59+s9+$0x0] =	vst.idx.add.s32.msk $0xffff, v2  }
0x76: {  	[tilespmem:v60+s9+$0x0] =	vst.idx.add.s32.msk $0xffff, v2  }
0x77: {  	[tilespmem:v61+s9+$0x0] =	vst.idx.add.s32.msk $0xffff, v2  }
0x78: {  	v62 =	vadd.s32 v1, v16;
	[tilespmem:v5+s9+$0x0] =	vst.idx.add.s32.msk $0xffff, v2  }
0x79: {  	v63 =	vadd.s32 v1, v17;
	[tilespmem:v4+s9+$0x0] =	vst.idx.add.s32.msk $0xffff, v2  }
0x7a: {  	[tilespmem:v3+s9+$0x0] =	vst.idx.add.s32.msk $0xffff, v2;
	v3 =	vadd.s32 v1, v18;
	_ =	sdelay $0x2  }
0x7b: {  	[tilespmem:v62+s9+$0x0] =	vst.idx.add.s32.msk $0xffff, v2  }
0x7c: {  	s16 =	simm.s32 $0x400;
	[tilespmem:v63+s9+$0x0] =	vst.idx.add.s32.msk $0xffff, v2  }
.LBB2_6:
0x7d: {  	s17 =	sshra.s32 s16, $0x2;
	p0 =	sne.s32 s16, $0xC000;
	s16 =	sadd.s32 $0x400, s16;
	[tilespmem:v3+s9+$0x0] =	vst.idx.add.s32.msk $0xffff, v2  }
0x7e: {  	v3 =	vld [tilespmem:s17+$0x3060]  }
0x7f: {  	v4 =	vld [tilespmem:s17+$0x3050]  }
0x80: {  	v5 =	vld [tilespmem:s17+$0x3040]  }
0x81: {  	v6 =	vld [tilespmem:s17+$0x3030]  }
0x82: {  	v7 =	vld [tilespmem:s17+$0x3020]  }
0x83: {  	v8 =	vld [tilespmem:s17+$0x3010]  }
0x84: {  	v9 =	vld [tilespmem:s17+$0x3000]  }
0x85: {  	v10 =	vld [tilespmem:s17+$0x3070]  }
0x86: {  	v11 =	vld [tilespmem:s17+$0x3080];
	v6 =	vadd.s32 v1, v6  }
0x87: {  	v5 =	vadd.s32 v1, v5;
	v12 =	vld [tilespmem:s17+$0x3090]  }
0x88: {  	v4 =	vadd.s32 v1, v4;
	v13 =	vld [tilespmem:s17+$0x30A0]  }
0x89: {  	v3 =	vadd.s32 v1, v3;
	v8 =	vadd.s32 v1, v8;
	v14 =	vld [tilespmem:s17+$0x30B0];
	v9 =	vadd.s32 v1, v9  }
0x8a: {  	v7 =	vadd.s32 v1, v7;
	v15 =	vld [tilespmem:s17+$0x30C0];
	v10 =	vadd.s32 v1, v10  }
0x8b: {  	v16 =	vld [tilespmem:s17+$0x30D0];
	v11 =	vadd.s32 v1, v11  }
0x8c: {  	v17 =	vld [tilespmem:s17+$0x30E0];
	v12 =	vadd.s32 v1, v12  }
0x8d: {  	v18 =	vld [tilespmem:s17+$0x30F0]  }
0x8e: {  	[tilespmem:v9+s9+$0x0] =	vst.idx.add.s32.msk $0xffff, v2  }
0x8f: {  	v9 =	vadd.s32 v1, v13;
	[tilespmem:v8+s9+$0x0] =	vst.idx.add.s32.msk $0xffff, v2  }
0x90: {  	v8 =	vadd.s32 v1, v14;
	[tilespmem:v7+s9+$0x0] =	vst.idx.add.s32.msk $0xffff, v2  }
0x91: {  	[tilespmem:v6+s9+$0x0] =	vst.idx.add.s32.msk $0xffff, v2  }
0x92: {  	[tilespmem:v5+s9+$0x0] =	vst.idx.add.s32.msk $0xffff, v2  }
0x93: {  	v5 =	vadd.s32 v1, v15;
	[tilespmem:v4+s9+$0x0] =	vst.idx.add.s32.msk $0xffff, v2  }
0x94: {  	[tilespmem:v3+s9+$0x0] =	vst.idx.add.s32.msk $0xffff, v2  }
0x95: {  	v4 =	vadd.s32 v1, v16;
	[tilespmem:v10+s9+$0x0] =	vst.idx.add.s32.msk $0xffff, v2  }
0x96: {  	[tilespmem:v11+s9+$0x0] =	vst.idx.add.s32.msk $0xffff, v2  }
0x97: {  	v6 =	vadd.s32 v1, v17;
	[tilespmem:v12+s9+$0x0] =	vst.idx.add.s32.msk $0xffff, v2  }
.Ltmp2:
0x98: {  	v3 =	vadd.s32 v1, v18;
	[tilespmem:v9+s9+$0x0] =	vst.idx.add.s32.msk $0xffff, v2;
	(pc) =	sbr.rel @p0 .LBB2_6-.Ltmp2, $4  }
0x99: {  	[tilespmem:v8+s9+$0x0] =	vst.idx.add.s32.msk $0xffff, v2  }
0x9a: {  	[tilespmem:v5+s9+$0x0] =	vst.idx.add.s32.msk $0xffff, v2  }
0x9b: {  	[tilespmem:v4+s9+$0x0] =	vst.idx.add.s32.msk $0xffff, v2  }
0x9c: {  	[tilespmem:v6+s9+$0x0] =	vst.idx.add.s32.msk $0xffff, v2  }
0x9d: {  	_ =	sdelay $0x3  }
0x9e: {  	[tilespmem:v3+s9+$0x0] =	vst.idx.add.s32.msk $0xffff, v2  }
0x9f: {  	v3 =	vld [tilespmem:$0x6100]  }
0xa0: {  	v4 =	vld [tilespmem:$0x6110]  }
0xa1: {  	v5 =	vld [tilespmem:$0x6120]  }
0xa2: {  	v6 =	vld [tilespmem:$0x6130]  }
0xa3: {  	v7 =	vld [tilespmem:$0x6140]  }
0xa4: {  	v8 =	vld [tilespmem:$0x6150];
	v3 =	vadd.s32 v1, v3  }
0xa5: {  	v9 =	vld [tilespmem:$0x6160];
	v4 =	vadd.s32 v1, v4  }
0xa6: {  	v10 =	vld [tilespmem:$0x6170];
	v5 =	vadd.s32 v1, v5  }
0xa7: {  	v11 =	vld [tilespmem:$0x6180];
	v6 =	vadd.s32 v1, v6  }
0xa8: {  	s16 =	simm.s32 $0x6200;
	v12 =	vld [tilespmem:$0x6190];
	v7 =	vadd.s32 v1, v7  }
0xa9: {  	[tilespmem:v3+s16+$0x0] =	vst.idx.add.s32.msk $0xffff, v2;
	v3 =	vadd.s32 v1, v8  }
0xaa: {  	[tilespmem:v4+s16+$0x0] =	vst.idx.add.s32.msk $0xffff, v2;
	v4 =	vadd.s32 v1, v9  }
0xab: {  	[tilespmem:v5+s16+$0x0] =	vst.idx.add.s32.msk $0xffff, v2;
	v5 =	vadd.s32 v1, v10  }
0xac: {  	v55 =	vadd.s32 v1, v11;
	[tilespmem:v6+s16+$0x0] =	vst.idx.add.s32.msk $0xffff, v2  }
0xad: {  	v56 =	vadd.s32 v1, v12;
	[tilespmem:v7+s16+$0x0] =	vst.idx.add.s32.msk $0xffff, v2  }
0xae: {  	[tilespmem:v3+s16+$0x0] =	vst.idx.add.s32.msk $0xffff, v2  }
0xaf: {  	[tilespmem:v4+s16+$0x0] =	vst.idx.add.s32.msk $0xffff, v2  }
0xb0: {  	[tilespmem:v5+s16+$0x0] =	vst.idx.add.s32.msk $0xffff, v2  }
0xb1: {  	[tilespmem:v55+s16+$0x0] =	vst.idx.add.s32.msk $0xffff, v2  }
0xb2: {  	[tilespmem:v56+s16+$0x0] =	vst.idx.add.s32.msk $0xffff, v2  }
0xb3: {  	v3 =	vld [tilespmem:$0x61A0];
	_ =	sdelay $0x4  }
0xb4: {  	vm0 =	vgt.s32 v3, $0x0  }
0xb5: {  	v3 =	vnsel vm0, $0x0, v3  }
0xb6: {  	v3 =	vmin.u32 v3, $0x1FF  }
0xb7: {  	v3 =	vor.u32 v1, v3;
	_ =	sdelay $0x3  }
0xb8: {  	s17 =	simm.s32 $0x0  }
0xb9: {  	s17 =	sand.u32 $0x1F0, s17;
	[tilespmem:v3+s16+$0x0] =	vst.idx.add.s32.msk $0xff, v2  }
0xba: {  	v3 =	vld [tilespmem:s17+$0x6400]  }
0xbb: {  	v4 =	vld [tilespmem:s16+$0x0]  }
0xbc: {  	v5 =	vld [tilespmem:s17+$0x6600]  }
0xbd: {  	v6 =	vld [tilespmem:s17+$0x6800]  }
0xbe: {  	v7 =	vld [tilespmem:s17+$0x6A00]  }
0xbf: {  	v57 =	vld [tilespmem:s17+$0x6C00]  }
0xc0: {  	v58 =	vld [tilespmem:s17+$0x6E00];
	v3 =	vadd.s32 v4, v3  }
0xc1: {  	v4 =	vld [tilespmem:s17+$0x7000];
	v3 =	vadd.s32 v5, v3  }
0xc2: {  	v5 =	vld [tilespmem:s17+$0x7200];
	v3 =	vadd.s32 v6, v3  }
0xc3: {  	v59 =	vld [tilespmem:s17+$0x7400];
	v3 =	vadd.s32 v7, v3  }
0xc4: {  	v60 =	vld [tilespmem:s17+$0x7600];
	v3 =	vadd.s32 v57, v3  }
0xc5: {  	v61 =	vld [tilespmem:s17+$0x7800];
	v3 =	vadd.s32 v58, v3  }
0xc6: {  	v62 =	vld [tilespmem:s17+$0x7A00];
	v3 =	vadd.s32 v4, v3  }
0xc7: {  	v4 =	vld [tilespmem:s17+$0x7C00];
	v3 =	vadd.s32 v5, v3  }
0xc8: {  	v5 =	vld [tilespmem:s17+$0x7E00];
	v3 =	vadd.s32 v59, v3  }
0xc9: {  	v63 =	vld [tilespmem:s17+$0x8000];
	v3 =	vadd.s32 v60, v3  }
0xca: {  	v3 =	vadd.s32 v61, v3  }
0xcb: {  	v3 =	vadd.s32 v62, v3  }
0xcc: {  	v3 =	vadd.s32 v4, v3  }
0xcd: {  	v3 =	vadd.s32 v5, v3  }
0xce: {  	s31 =	simm.s32 $0x10;
	s16 =	simm.s32 $0x8200;
	v3 =	vadd.s32 v63, v3  }
0xcf: {  	s17 =	sand.u32 $0x1F0, s31;
	[tilespmem:s16+$0x0] =	vst v3  }
0xd0: {  	s19 =	simm.s32 $0x20;
	s18 =	simm.s32 $0x6210;
	v3 =	vld [tilespmem:s17+$0x6400]  }
.LBB2_8:
0xd1: {  	p0 =	sne.s32 s19, $0x1F0;
	v4 =	vld [tilespmem:s18+$0x0]  }
0xd2: {  	v5 =	vld [tilespmem:s17+$0x6600]  }
0xd3: {  	v6 =	vld [tilespmem:s17+$0x6800]  }
0xd4: {  	v7 =	vld [tilespmem:s17+$0x6A00]  }
0xd5: {  	v8 =	vld [tilespmem:s17+$0x6C00]  }
0xd6: {  	v9 =	vld [tilespmem:s17+$0x6E00];
	v3 =	vadd.s32 v4, v3  }
0xd7: {  	v4 =	vld [tilespmem:s17+$0x7000];
	v3 =	vadd.s32 v5, v3  }
0xd8: {  	v5 =	vld [tilespmem:s17+$0x7200];
	v3 =	vadd.s32 v6, v3  }
0xd9: {  	v6 =	vld [tilespmem:s17+$0x7400];
	v3 =	vadd.s32 v7, v3  }
0xda: {  	v7 =	vld [tilespmem:s17+$0x7600];
	v3 =	vadd.s32 v8, v3  }
0xdb: {  	v8 =	vld [tilespmem:s17+$0x7800];
	v3 =	vadd.s32 v9, v3  }
0xdc: {  	v9 =	vld [tilespmem:s17+$0x7A00];
	v3 =	vadd.s32 v4, v3  }
0xdd: {  	v4 =	vld [tilespmem:s17+$0x7C00];
	v3 =	vadd.s32 v5, v3  }
0xde: {  	v5 =	vld [tilespmem:s17+$0x7E00];
	v3 =	vadd.s32 v6, v3  }
0xdf: {  	v6 =	vld [tilespmem:s17+$0x8000];
	v3 =	vadd.s32 v7, v3  }
0xe0: {  	v3 =	vadd.s32 v8, v3  }
0xe1: {  	v3 =	vadd.s32 v9, v3  }
.Ltmp3:
0xe2: {  	v3 =	vadd.s32 v4, v3;
	(pc) =	sbr.rel @p0 .LBB2_8-.Ltmp3, $4  }
0xe3: {  	v3 =	vadd.s32 v5, v3  }
0xe4: {  	s16 =	sadd.s32 $0x10, s16;
	v3 =	vadd.s32 v6, v3  }
0xe5: {  	s17 =	sand.u32 $0x1F0, s19;
	[tilespmem:s16+$0x0] =	vst v3  }
0xe6: {  	s18 =	sadd.s32 $0x10, s18;
	s19 =	sadd.s32 $0x10, s19;
	v3 =	vld [tilespmem:s17+$0x6400]  }
0xe7: {  	v4 =	vld [tilespmem:s18+$0x0]  }
0xe8: {  	v5 =	vld [tilespmem:s17+$0x6600]  }
0xe9: {  	v6 =	vld [tilespmem:s17+$0x6800]  }
0xea: {  	v7 =	vld [tilespmem:s17+$0x6A00]  }
0xeb: {  	v8 =	vld [tilespmem:s17+$0x6C00]  }
0xec: {  	v9 =	vld [tilespmem:s17+$0x6E00];
	v3 =	vadd.s32 v4, v3  }
0xed: {  	v55 =	vld [tilespmem:s17+$0x7000];
	v3 =	vadd.s32 v5, v3  }
0xee: {  	v56 =	vld [tilespmem:s17+$0x7200];
	v3 =	vadd.s32 v6, v3  }
0xef: {  	v57 =	vld [tilespmem:s17+$0x7400];
	v3 =	vadd.s32 v7, v3  }
0xf0: {  	v58 =	vld [tilespmem:s17+$0x7600];
	v3 =	vadd.s32 v8, v3  }
0xf1: {  	v59 =	vld [tilespmem:s17+$0x7800];
	v3 =	vadd.s32 v9, v3  }
0xf2: {  	v60 =	vld [tilespmem:s17+$0x7A00];
	v3 =	vadd.s32 v55, v3  }
0xf3: {  	v61 =	vld [tilespmem:s17+$0x7C00];
	v3 =	vadd.s32 v56, v3  }
0xf4: {  	v62 =	vld [tilespmem:s17+$0x7E00];
	v3 =	vadd.s32 v57, v3  }
0xf5: {  	v63 =	vld [tilespmem:s17+$0x8000];
	v3 =	vadd.s32 v58, v3  }
0xf6: {  	v3 =	vadd.s32 v59, v3  }
0xf7: {  	v3 =	vadd.s32 v60, v3  }
0xf8: {  	v3 =	vadd.s32 v61, v3  }
0xf9: {  	s15 =	sadd.s32 $0x1, s15;
	v3 =	vadd.s32 v62, v3  }
0xfa: {  	s16 =	sadd.s32 $0x10, s16;
	p0 =	sne.s32 s15, s6;
	v3 =	vadd.s32 v63, v3  }
.Ltmp4:
0xfb: {  	[tilespmem:s16+$0x0] =	vst v3;
	(pc) =	sbr.rel @p0 .LBB2_1-.Ltmp4, $4  }
0xfc: {  	[hbm4b:s5+s11] =	stream.strided.scatter [tilespmem:s13], [sflag:$0x3], $0x200, s12, s11, $0x38;
	[tilespmem:$0x8400] =	vst v63  }
0xfd: {  	_ =	swait.ge [sflag:s14], $0x200  }
0xfe: {  	[sflag:s14] =	ssyncset.done $0x0  }
0xff: {  	[sflag:s14] =	ssyncadd.s32 $0xFFFFFE00  }
0x100: {  	_ =	sfence.sel $0x180000  }
0x101: {  	[bflag:$0x0] =	sbarrier.arrive $0xFFFF  }
0x102: {  	p0 =	sne.s32 s1, $0x0;
	_ =	strace $0x90000047  }
0x103: {  	s0 =	sadd.s32 @!p0 $0x100000, s0;
	[bflag:$0x2] =	sbarrier.arrive $0xFFFF  }
0x104: {  	[sflag:s0] =	ssyncadd.tile.s32 @!p0 $0x1;
	_ =	shalt  }
.Lfunc_end2:
_tile_overlayer_lowered:
.L_overlay_start_2:
0x105: {  	(tag) =	ssettag $0x2  }
0x106: {  	s0 =	rddreg [dreg:$0x0];
	s2 =	stileid.u32  }
0x107: {  	s1 =	rddreg [dreg:$0x1];
	p0 =	sne.s32 s2, $0x0  }
0x108: {  	s3 =	rddreg [dreg:$0x2];
	[bflag:$0x3] =	sbarrier.arrive $0xFFFF;
	s2 =	simm.s32 @!p0 $0x1C03  }
0x109: {  	[timem:s3], [sflag:s2] =	dma.local @!p0 [hbm:s0], s1  }
0x10a: {  	s0 =	simm.s32 @!p0 $0x3  }
0x10b: {  	_ =	swait.ge @!p0 [sflag:s0], s1  }
0x10c: {  	s1 =	ssub.s32 @!p0 $0x0, s1;
	[sflag:s0] =	ssyncset.done @!p0 $0x0  }
0x10d: {  	[sflag:s0] =	ssyncadd.s32 @!p0 s1  }
0x10e: {  	[bflag:$0x3] =	sbarrier.arrive $0xFFFF  }
0x10f: {  	_ =	shalt  }

</sc_bundles>
